<compile_context>
chip_gen: v7x
topology: tpu7x:2x2x1
jax: 0.10.2.dev20260603
libtpu: 0.0.44.dev20260713+nightly
codegen_flags: <defaults>
</compile_context>

<pallas_src>
import functools

import jax
import jax.numpy as jnp
from jax import lax
from jax.experimental import pallas as pl
from jax.experimental.pallas import tpu as pltpu
from jax.experimental.pallas import tpu_sc as plsc

BATCH = 16384
EMBED = 64

_NC = 2
_NS = 16
_NW = _NC * _NS
_BPW = BATCH // _NW
_BSZ = 16
_HALF = _BPW // 2
_NBH = _HALF // _BSZ
_CHUNK = 128
_NCHUNK = _BPW // _CHUNK


def _rowdma_body(idx_hbm, tab_hbm, out_hbm, idx_s, rows, sem):
    wid = lax.axis_index("s") * _NC + lax.axis_index("c")
    base = wid * _BPW
    pltpu.sync_copy(idx_hbm.at[pl.ds(base, _BPW)], idx_s)

    def issue_batch(half_off, b):
        off = b * _BSZ
        vec = idx_s[pl.ds(half_off + off, _BSZ)]
        for j in range(_BSZ):
            u = vec[j]
            pltpu.async_copy(tab_hbm.at[pl.ds(u, 1)], rows.at[pl.ds(off + j, 1)], sem)

    def drain_batch():
        pltpu.make_async_copy(
            tab_hbm.at[pl.ds(0, _BSZ)], rows.at[pl.ds(0, _BSZ)], sem
        ).wait()

    for half in range(2):
        half_off = half * _HALF

        @pl.loop(0, _NBH)
        def _loop(b):
            issue_batch(half_off, b)

            @pl.when(b >= 2)
            def _():
                drain_batch()

        drain_batch()
        drain_batch()
        pltpu.sync_copy(rows, out_hbm.at[pl.ds(base + half_off, _HALF)])


def _gather_tiled(ids, table):
    mesh = plsc.VectorSubcoreMesh(core_axis_name="c", subcore_axis_name="s")
    k = functools.partial(
        pl.kernel,
        mesh=mesh,
        out_type=[jax.ShapeDtypeStruct((BATCH, EMBED), jnp.float32)],
        scratch_types=[
            pltpu.VMEM((_BPW,), jnp.int32),
            pltpu.VMEM((_HALF, EMBED), jnp.float32),
            pltpu.SemaphoreType.DMA,
        ],
        compiler_params=pltpu.CompilerParams(use_tc_tiling_on_sc=True),
    )(_rowdma_body)
    (out,) = k(ids, table)
    return out


def _indirect_body(idx_hbm, tab_hbm, out_hbm, idx_v, buf, sem):
    wid = lax.axis_index("s") * _NC + lax.axis_index("c")
    base = wid * _BPW
    pltpu.sync_copy(idx_hbm.at[pl.ds(base, _BPW)], idx_v)
    for c in range(_NCHUNK):
        sl = pl.ds(c * _CHUNK, _CHUNK)
        pltpu.async_copy(tab_hbm.at[idx_v.at[sl]], buf, sem).wait()
        pltpu.sync_copy(buf, out_hbm.at[pl.ds(base + c * _CHUNK, _CHUNK)])


def _gather_untiled(ids, table):
    mesh = plsc.VectorSubcoreMesh(core_axis_name="c", subcore_axis_name="s")
    k = functools.partial(
        pl.kernel,
        mesh=mesh,
        out_type=[jax.ShapeDtypeStruct((BATCH, EMBED), jnp.float32)],
        scratch_types=[
            pltpu.VMEM((_BPW,), jnp.int32),
            pltpu.VMEM((_CHUNK, EMBED), jnp.float32),
            pltpu.SemaphoreType.DMA,
        ],
        compiler_params=pltpu.CompilerParams(use_tc_tiling_on_sc=False),
    )(_indirect_body)
    (out,) = k(ids, table)
    return out


def _mlp_body(ue_ref, ie_ref, w1u_ref, w1i_ref, b1_ref, w2_ref, b2_ref, out_ref):
    h = (jnp.dot(ue_ref[...], w1u_ref[...], preferred_element_type=jnp.float32)
         + jnp.dot(ie_ref[...], w1i_ref[...], preferred_element_type=jnp.float32)
         + b1_ref[...])
    h = jax.nn.sigmoid(h)
    out_ref[...] = (jnp.sum(h * w2_ref[...], axis=1, keepdims=True)
                    + b2_ref[...])


_MLP_BLOCK = 2048


def _tc_mlp(ue, ie, W1, b1, W2, b2):
    w1u = W1[:EMBED]
    w1i = W1[EMBED:]
    b1r = b1.reshape(1, EMBED)
    w2r = W2.reshape(1, EMBED)
    b2r = b2.reshape(1, 1)
    grid = (BATCH // _MLP_BLOCK,)
    return pl.pallas_call(
        _mlp_body,
        grid=grid,
        in_specs=[
            pl.BlockSpec((_MLP_BLOCK, EMBED), lambda i: (i, 0)),
            pl.BlockSpec((_MLP_BLOCK, EMBED), lambda i: (i, 0)),
            pl.BlockSpec((EMBED, EMBED), lambda i: (0, 0)),
            pl.BlockSpec((EMBED, EMBED), lambda i: (0, 0)),
            pl.BlockSpec((1, EMBED), lambda i: (0, 0)),
            pl.BlockSpec((1, EMBED), lambda i: (0, 0)),
            pl.BlockSpec((1, 1), lambda i: (0, 0)),
        ],
        out_specs=pl.BlockSpec((_MLP_BLOCK, 1), lambda i: (i, 0)),
        out_shape=jax.ShapeDtypeStruct((BATCH, 1), jnp.float32),
    )(ue, ie, w1u, w1i, b1r, w2r, b2r)


def kernel(user_ids, item_ids, user_table, item_table, W1, b1, W2, b2):
    ie = _gather_untiled(item_ids, item_table)
    ue = _gather_tiled(user_ids, user_table)
    return _tc_mlp(ue, ie, W1, b1, W2, b2)

# --- scband reference (transcript-rebuilt; emitter-appended) ---
"""Pipeline reference for scband-movie-recommendation-model-50259707298032 (READ-ONLY COPY).

The authoritative reference and input builder live on the scoring server;
editing this copy changes nothing except your own understanding.
"""

import jax, jax.numpy as jnp
import numpy as np

NUM_USERS = 1000000
NUM_ITEMS = 1000000
EMBED_DIM = 64
BATCH = 16384


def setup_inputs(seed: int = 0) -> dict:
    key = jax.random.key(seed)
    ks = jax.random.split(key, 8)
    user_ids = jax.random.randint(ks[0], (BATCH,), 0, NUM_USERS, dtype=jnp.int64 if jax.config.jax_enable_x64 else jnp.int32)
    item_ids = jax.random.randint(ks[1], (BATCH,), 0, NUM_ITEMS, dtype=jnp.int64 if jax.config.jax_enable_x64 else jnp.int32)
    user_table = jax.random.normal(ks[2], (NUM_USERS, EMBED_DIM), dtype=jnp.float32)
    item_table = jax.random.normal(ks[3], (NUM_ITEMS, EMBED_DIM), dtype=jnp.float32)
    # fc1: Linear(embedding_dim*2 -> 64)
    W1 = jax.random.normal(ks[4], (EMBED_DIM * 2, 64), dtype=jnp.float32) * (1.0 / np.sqrt(EMBED_DIM * 2))
    b1 = jnp.zeros((64,), dtype=jnp.float32)
    # fc2: Linear(64 -> 1)
    W2 = jax.random.normal(ks[5], (64, 1), dtype=jnp.float32) * (1.0 / np.sqrt(64))
    b2 = jnp.zeros((1,), dtype=jnp.float32)
    return {
        "user_ids": user_ids,
        "item_ids": item_ids,
        "user_table": user_table,
        "item_table": item_table,
        "W1": W1,
        "b1": b1,
        "W2": W2,
        "b2": b2,
    }


def reference(user_ids, item_ids, user_table, item_table, W1, b1, W2, b2):
    # embedding lookups (gather)
    user_embeds = jnp.take(user_table, user_ids, axis=0)
    item_embeds = jnp.take(item_table, item_ids, axis=0)
    x = jnp.concatenate((user_embeds, item_embeds), axis=1)
    x = x @ W1 + b1
    x = jax.nn.sigmoid(x)
    x = x @ W2 + b2
    return x

if __name__ == "__main__":
    import jax
    _d = setup_inputs()
    print(jax.jit(kernel)(*tuple(_d.values())))

</pallas_src>

<mosaic_0001>
#map = affine_map<(d0, d1) -> (0)>
#map1 = affine_map<(d0, d1) -> (0, 0)>
module attributes {stable_mosaic.version = 14 : i64} {
  func.func @_indirect_body(%arg0: i32, %arg1: i32, %arg2: memref<16384xi32, #tpu.memory_space<hbm>>, %arg3: memref<1000000x64xf32, #tpu.memory_space<hbm>>, %arg4: memref<16384x64xf32, #tpu.memory_space<hbm>>, %arg5: memref<512xi32, #tpu.memory_space<vmem>>, %arg6: memref<128x64xf32, #tpu.memory_space<vmem>>, %arg7: memref<!tpu.dma_semaphore, #tpu.memory_space<semaphore_mem>>) attributes {dimension_semantics = [#tpu.dimension_semantics<core_parallel>, #tpu.dimension_semantics<subcore_parallel>], iteration_bounds = array<i64: 2, 16>, scalar_prefetch = 0 : i64, scratch_operands = 3 : i64, tpu.core_type = #tpu.core_type<sc_vector_subcore>, window_params = [{transform_indices = #map}, {transform_indices = #map1}, {transform_indices = #map1}]} {
    %mul3A = arith.constant 2 : i32
    %mul3A_0 = arith.muli %arg1, %mul3A : i32
    %add3A = arith.addi %mul3A_0, %arg0 : i32
    %mul3A_1 = arith.constant 512 : i32
    %mul3A_2 = arith.muli %add3A, %mul3A_1 : i32
    "tpu.region"() ({
      %run_scoped3A = tpu.sem_alloc : memref<!tpu.dma_semaphore, #tpu.memory_space<semaphore_mem>>
      %dma_start3A_49 = tpu.memref_slice %arg2[%mul3A_2] : memref<16384xi32, #tpu.memory_space<hbm>> -> memref<512xi32, #tpu.memory_space<hbm>>
      %dma_start3A_50 = tpu.memref_slice %arg2[%mul3A_2] : memref<16384xi32, #tpu.memory_space<hbm>> -> memref<512xi32, #tpu.memory_space<hbm>>
      tpu.enqueue_dma source(%dma_start3A_50 : memref<512xi32, #tpu.memory_space<hbm>>) target(%arg5 : memref<512xi32, #tpu.memory_space<vmem>>) target_semaphore(%run_scoped3A : memref<!tpu.dma_semaphore, #tpu.memory_space<semaphore_mem>>)
      %dma_wait3A_51 = tpu.memref_slice %arg2[%mul3A_2] : memref<16384xi32, #tpu.memory_space<hbm>> -> memref<512xi32, #tpu.memory_space<hbm>>
      %dma_wait3A_52 = tpu.memref_slice %arg2[%mul3A_2] : memref<16384xi32, #tpu.memory_space<hbm>> -> memref<512xi32, #tpu.memory_space<hbm>>
      tpu.wait_dma2 semaphore(%run_scoped3A : memref<!tpu.dma_semaphore, #tpu.memory_space<semaphore_mem>>) src(%dma_wait3A_52 : memref<512xi32, #tpu.memory_space<hbm>>) dst(%arg5 : memref<512xi32, #tpu.memory_space<vmem>>)
      tpu.yield
    }) : () -> ()
    %dma_start3A = arith.constant 0 : i32
    %dma_start3A_3 = tpu.memref_slice %arg5[%dma_start3A] : memref<512xi32, #tpu.memory_space<vmem>> -> memref<128xi32, #tpu.memory_space<vmem>>
    %dma_start3A_4 = arith.constant 0 : i32
    %dma_start3A_5 = arith.constant 0 : i32
    %dma_start3A_6 = tpu.memref_slice %arg3[%dma_start3A_4, %dma_start3A_5] : memref<1000000x64xf32, #tpu.memory_space<hbm>> -> memref<1000000x64xf32, #tpu.memory_space<hbm>>
    tpu.enqueue_indirect_dma source(%dma_start3A_6 : memref<1000000x64xf32, #tpu.memory_space<hbm>>) target(%arg6 : memref<128x64xf32, #tpu.memory_space<vmem>>) offsets(%dma_start3A_3 : memref<128xi32, #tpu.memory_space<vmem>>) semaphore(%arg7 : memref<!tpu.dma_semaphore, #tpu.memory_space<semaphore_mem>>)
    %dma_wait3A = arith.constant 0 : i32
    %dma_wait3A_7 = tpu.memref_slice %arg5[%dma_wait3A] : memref<512xi32, #tpu.memory_space<vmem>> -> memref<128xi32, #tpu.memory_space<vmem>>
    %dma_wait3A_8 = arith.constant 0 : i32
    %dma_wait3A_9 = arith.constant 0 : i32
    %dma_wait3A_10 = tpu.memref_slice %arg3[%dma_wait3A_8, %dma_wait3A_9] : memref<1000000x64xf32, #tpu.memory_space<hbm>> -> memref<1000000x64xf32, #tpu.memory_space<hbm>>
    tpu.wait_indirect_dma semaphore(%arg7 : memref<!tpu.dma_semaphore, #tpu.memory_space<semaphore_mem>>) src(%dma_wait3A_10 : memref<1000000x64xf32, #tpu.memory_space<hbm>>) dst(%arg6 : memref<128x64xf32, #tpu.memory_space<vmem>>)
    %add3A_11 = arith.constant 0 : i32
    %add3A_12 = arith.addi %mul3A_2, %add3A_11 : i32
    "tpu.region"() ({
      %run_scoped3A = tpu.sem_alloc : memref<!tpu.dma_semaphore, #tpu.memory_space<semaphore_mem>>
      %dma_start3A_49 = arith.constant 0 : i32
      %dma_start3A_50 = tpu.memref_slice %arg4[%add3A_12, %dma_start3A_49] : memref<16384x64xf32, #tpu.memory_space<hbm>> -> memref<128x64xf32, #tpu.memory_space<hbm>>
      %dma_start3A_51 = arith.constant 0 : i32
      %dma_start3A_52 = tpu.memref_slice %arg4[%add3A_12, %dma_start3A_51] : memref<16384x64xf32, #tpu.memory_space<hbm>> -> memref<128x64xf32, #tpu.memory_space<hbm>>
      tpu.enqueue_dma source(%arg6 : memref<128x64xf32, #tpu.memory_space<vmem>>) target(%dma_start3A_52 : memref<128x64xf32, #tpu.memory_space<hbm>>) target_semaphore(%run_scoped3A : memref<!tpu.dma_semaphore, #tpu.memory_space<semaphore_mem>>)
      %dma_wait3A_53 = arith.constant 0 : i32
      %dma_wait3A_54 = tpu.memref_slice %arg4[%add3A_12, %dma_wait3A_53] : memref<16384x64xf32, #tpu.memory_space<hbm>> -> memref<128x64xf32, #tpu.memory_space<hbm>>
      %dma_wait3A_55 = arith.constant 0 : i32
      %dma_wait3A_56 = tpu.memref_slice %arg4[%add3A_12, %dma_wait3A_55] : memref<16384x64xf32, #tpu.memory_space<hbm>> -> memref<128x64xf32, #tpu.memory_space<hbm>>
      tpu.wait_dma2 semaphore(%run_scoped3A : memref<!tpu.dma_semaphore, #tpu.memory_space<semaphore_mem>>) src(%arg6 : memref<128x64xf32, #tpu.memory_space<vmem>>) dst(%dma_wait3A_56 : memref<128x64xf32, #tpu.memory_space<hbm>>)
      tpu.yield
    }) : () -> ()
    %dma_start3A_13 = arith.constant 128 : i32
    %dma_start3A_14 = tpu.memref_slice %arg5[%dma_start3A_13] : memref<512xi32, #tpu.memory_space<vmem>> -> memref<128xi32, #tpu.memory_space<vmem>>
    %dma_start3A_15 = arith.constant 0 : i32
    %dma_start3A_16 = arith.constant 0 : i32
    %dma_start3A_17 = tpu.memref_slice %arg3[%dma_start3A_15, %dma_start3A_16] : memref<1000000x64xf32, #tpu.memory_space<hbm>> -> memref<1000000x64xf32, #tpu.memory_space<hbm>>
    tpu.enqueue_indirect_dma source(%dma_start3A_17 : memref<1000000x64xf32, #tpu.memory_space<hbm>>) target(%arg6 : memref<128x64xf32, #tpu.memory_space<vmem>>) offsets(%dma_start3A_14 : memref<128xi32, #tpu.memory_space<vmem>>) semaphore(%arg7 : memref<!tpu.dma_semaphore, #tpu.memory_space<semaphore_mem>>)
    %dma_wait3A_18 = arith.constant 128 : i32
    %dma_wait3A_19 = tpu.memref_slice %arg5[%dma_wait3A_18] : memref<512xi32, #tpu.memory_space<vmem>> -> memref<128xi32, #tpu.memory_space<vmem>>
    %dma_wait3A_20 = arith.constant 0 : i32
    %dma_wait3A_21 = arith.constant 0 : i32
    %dma_wait3A_22 = tpu.memref_slice %arg3[%dma_wait3A_20, %dma_wait3A_21] : memref<1000000x64xf32, #tpu.memory_space<hbm>> -> memref<1000000x64xf32, #tpu.memory_space<hbm>>
    tpu.wait_indirect_dma semaphore(%arg7 : memref<!tpu.dma_semaphore, #tpu.memory_space<semaphore_mem>>) src(%dma_wait3A_22 : memref<1000000x64xf32, #tpu.memory_space<hbm>>) dst(%arg6 : memref<128x64xf32, #tpu.memory_space<vmem>>)
    %add3A_23 = arith.constant 128 : i32
    %add3A_24 = arith.addi %mul3A_2, %add3A_23 : i32
    "tpu.region"() ({
      %run_scoped3A = tpu.sem_alloc : memref<!tpu.dma_semaphore, #tpu.memory_space<semaphore_mem>>
      %dma_start3A_49 = arith.constant 0 : i32
      %dma_start3A_50 = tpu.memref_slice %arg4[%add3A_24, %dma_start3A_49] : memref<16384x64xf32, #tpu.memory_space<hbm>> -> memref<128x64xf32, #tpu.memory_space<hbm>>
      %dma_start3A_51 = arith.constant 0 : i32
      %dma_start3A_52 = tpu.memref_slice %arg4[%add3A_24, %dma_start3A_51] : memref<16384x64xf32, #tpu.memory_space<hbm>> -> memref<128x64xf32, #tpu.memory_space<hbm>>
      tpu.enqueue_dma source(%arg6 : memref<128x64xf32, #tpu.memory_space<vmem>>) target(%dma_start3A_52 : memref<128x64xf32, #tpu.memory_space<hbm>>) target_semaphore(%run_scoped3A : memref<!tpu.dma_semaphore, #tpu.memory_space<semaphore_mem>>)
      %dma_wait3A_53 = arith.constant 0 : i32
      %dma_wait3A_54 = tpu.memref_slice %arg4[%add3A_24, %dma_wait3A_53] : memref<16384x64xf32, #tpu.memory_space<hbm>> -> memref<128x64xf32, #tpu.memory_space<hbm>>
      %dma_wait3A_55 = arith.constant 0 : i32
      %dma_wait3A_56 = tpu.memref_slice %arg4[%add3A_24, %dma_wait3A_55] : memref<16384x64xf32, #tpu.memory_space<hbm>> -> memref<128x64xf32, #tpu.memory_space<hbm>>
      tpu.wait_dma2 semaphore(%run_scoped3A : memref<!tpu.dma_semaphore, #tpu.memory_space<semaphore_mem>>) src(%arg6 : memref<128x64xf32, #tpu.memory_space<vmem>>) dst(%dma_wait3A_56 : memref<128x64xf32, #tpu.memory_space<hbm>>)
      tpu.yield
    }) : () -> ()
    %dma_start3A_25 = arith.constant 256 : i32
    %dma_start3A_26 = tpu.memref_slice %arg5[%dma_start3A_25] : memref<512xi32, #tpu.memory_space<vmem>> -> memref<128xi32, #tpu.memory_space<vmem>>
    %dma_start3A_27 = arith.constant 0 : i32
    %dma_start3A_28 = arith.constant 0 : i32
    %dma_start3A_29 = tpu.memref_slice %arg3[%dma_start3A_27, %dma_start3A_28] : memref<1000000x64xf32, #tpu.memory_space<hbm>> -> memref<1000000x64xf32, #tpu.memory_space<hbm>>
    tpu.enqueue_indirect_dma source(%dma_start3A_29 : memref<1000000x64xf32, #tpu.memory_space<hbm>>) target(%arg6 : memref<128x64xf32, #tpu.memory_space<vmem>>) offsets(%dma_start3A_26 : memref<128xi32, #tpu.memory_space<vmem>>) semaphore(%arg7 : memref<!tpu.dma_semaphore, #tpu.memory_space<semaphore_mem>>)
    %dma_wait3A_30 = arith.constant 256 : i32
    %dma_wait3A_31 = tpu.memref_slice %arg5[%dma_wait3A_30] : memref<512xi32, #tpu.memory_space<vmem>> -> memref<128xi32, #tpu.memory_space<vmem>>
    %dma_wait3A_32 = arith.constant 0 : i32
    %dma_wait3A_33 = arith.constant 0 : i32
    %dma_wait3A_34 = tpu.memref_slice %arg3[%dma_wait3A_32, %dma_wait3A_33] : memref<1000000x64xf32, #tpu.memory_space<hbm>> -> memref<1000000x64xf32, #tpu.memory_space<hbm>>
    tpu.wait_indirect_dma semaphore(%arg7 : memref<!tpu.dma_semaphore, #tpu.memory_space<semaphore_mem>>) src(%dma_wait3A_34 : memref<1000000x64xf32, #tpu.memory_space<hbm>>) dst(%arg6 : memref<128x64xf32, #tpu.memory_space<vmem>>)
    %add3A_35 = arith.constant 256 : i32
    %add3A_36 = arith.addi %mul3A_2, %add3A_35 : i32
    "tpu.region"() ({
      %run_scoped3A = tpu.sem_alloc : memref<!tpu.dma_semaphore, #tpu.memory_space<semaphore_mem>>
      %dma_start3A_49 = arith.constant 0 : i32
      %dma_start3A_50 = tpu.memref_slice %arg4[%add3A_36, %dma_start3A_49] : memref<16384x64xf32, #tpu.memory_space<hbm>> -> memref<128x64xf32, #tpu.memory_space<hbm>>
      %dma_start3A_51 = arith.constant 0 : i32
      %dma_start3A_52 = tpu.memref_slice %arg4[%add3A_36, %dma_start3A_51] : memref<16384x64xf32, #tpu.memory_space<hbm>> -> memref<128x64xf32, #tpu.memory_space<hbm>>
      tpu.enqueue_dma source(%arg6 : memref<128x64xf32, #tpu.memory_space<vmem>>) target(%dma_start3A_52 : memref<128x64xf32, #tpu.memory_space<hbm>>) target_semaphore(%run_scoped3A : memref<!tpu.dma_semaphore, #tpu.memory_space<semaphore_mem>>)
      %dma_wait3A_53 = arith.constant 0 : i32
      %dma_wait3A_54 = tpu.memref_slice %arg4[%add3A_36, %dma_wait3A_53] : memref<16384x64xf32, #tpu.memory_space<hbm>> -> memref<128x64xf32, #tpu.memory_space<hbm>>
      %dma_wait3A_55 = arith.constant 0 : i32
      %dma_wait3A_56 = tpu.memref_slice %arg4[%add3A_36, %dma_wait3A_55] : memref<16384x64xf32, #tpu.memory_space<hbm>> -> memref<128x64xf32, #tpu.memory_space<hbm>>
      tpu.wait_dma2 semaphore(%run_scoped3A : memref<!tpu.dma_semaphore, #tpu.memory_space<semaphore_mem>>) src(%arg6 : memref<128x64xf32, #tpu.memory_space<vmem>>) dst(%dma_wait3A_56 : memref<128x64xf32, #tpu.memory_space<hbm>>)
      tpu.yield
    }) : () -> ()
    %dma_start3A_37 = arith.constant 384 : i32
    %dma_start3A_38 = tpu.memref_slice %arg5[%dma_start3A_37] : memref<512xi32, #tpu.memory_space<vmem>> -> memref<128xi32, #tpu.memory_space<vmem>>
    %dma_start3A_39 = arith.constant 0 : i32
    %dma_start3A_40 = arith.constant 0 : i32
    %dma_start3A_41 = tpu.memref_slice %arg3[%dma_start3A_39, %dma_start3A_40] : memref<1000000x64xf32, #tpu.memory_space<hbm>> -> memref<1000000x64xf32, #tpu.memory_space<hbm>>
    tpu.enqueue_indirect_dma source(%dma_start3A_41 : memref<1000000x64xf32, #tpu.memory_space<hbm>>) target(%arg6 : memref<128x64xf32, #tpu.memory_space<vmem>>) offsets(%dma_start3A_38 : memref<128xi32, #tpu.memory_space<vmem>>) semaphore(%arg7 : memref<!tpu.dma_semaphore, #tpu.memory_space<semaphore_mem>>)
    %dma_wait3A_42 = arith.constant 384 : i32
    %dma_wait3A_43 = tpu.memref_slice %arg5[%dma_wait3A_42] : memref<512xi32, #tpu.memory_space<vmem>> -> memref<128xi32, #tpu.memory_space<vmem>>
    %dma_wait3A_44 = arith.constant 0 : i32
    %dma_wait3A_45 = arith.constant 0 : i32
    %dma_wait3A_46 = tpu.memref_slice %arg3[%dma_wait3A_44, %dma_wait3A_45] : memref<1000000x64xf32, #tpu.memory_space<hbm>> -> memref<1000000x64xf32, #tpu.memory_space<hbm>>
    tpu.wait_indirect_dma semaphore(%arg7 : memref<!tpu.dma_semaphore, #tpu.memory_space<semaphore_mem>>) src(%dma_wait3A_46 : memref<1000000x64xf32, #tpu.memory_space<hbm>>) dst(%arg6 : memref<128x64xf32, #tpu.memory_space<vmem>>)
    %add3A_47 = arith.constant 384 : i32
    %add3A_48 = arith.addi %mul3A_2, %add3A_47 : i32
    "tpu.region"() ({
      %run_scoped3A = tpu.sem_alloc : memref<!tpu.dma_semaphore, #tpu.memory_space<semaphore_mem>>
      %dma_start3A_49 = arith.constant 0 : i32
      %dma_start3A_50 = tpu.memref_slice %arg4[%add3A_48, %dma_start3A_49] : memref<16384x64xf32, #tpu.memory_space<hbm>> -> memref<128x64xf32, #tpu.memory_space<hbm>>
      %dma_start3A_51 = arith.constant 0 : i32
      %dma_start3A_52 = tpu.memref_slice %arg4[%add3A_48, %dma_start3A_51] : memref<16384x64xf32, #tpu.memory_space<hbm>> -> memref<128x64xf32, #tpu.memory_space<hbm>>
      tpu.enqueue_dma source(%arg6 : memref<128x64xf32, #tpu.memory_space<vmem>>) target(%dma_start3A_52 : memref<128x64xf32, #tpu.memory_space<hbm>>) target_semaphore(%run_scoped3A : memref<!tpu.dma_semaphore, #tpu.memory_space<semaphore_mem>>)
      %dma_wait3A_53 = arith.constant 0 : i32
      %dma_wait3A_54 = tpu.memref_slice %arg4[%add3A_48, %dma_wait3A_53] : memref<16384x64xf32, #tpu.memory_space<hbm>> -> memref<128x64xf32, #tpu.memory_space<hbm>>
      %dma_wait3A_55 = arith.constant 0 : i32
      %dma_wait3A_56 = tpu.memref_slice %arg4[%add3A_48, %dma_wait3A_55] : memref<16384x64xf32, #tpu.memory_space<hbm>> -> memref<128x64xf32, #tpu.memory_space<hbm>>
      tpu.wait_dma2 semaphore(%run_scoped3A : memref<!tpu.dma_semaphore, #tpu.memory_space<semaphore_mem>>) src(%arg6 : memref<128x64xf32, #tpu.memory_space<vmem>>) dst(%dma_wait3A_56 : memref<128x64xf32, #tpu.memory_space<hbm>>)
      tpu.yield
    }) : () -> ()
    return
  }
}

#map = affine_map<(d0, d1) -> (0)>
#map1 = affine_map<(d0, d1) -> (0, 0)>
module attributes {stable_mosaic.version = 14 : i64} {
  func.func @_rowdma_body(%arg0: i32, %arg1: i32, %arg2: memref<16384xi32, #tpu.memory_space<hbm>>, %arg3: memref<1000000x64xf32, #tpu.memory_space<hbm>>, %arg4: memref<16384x64xf32, #tpu.memory_space<hbm>>, %arg5: memref<512xi32, #tpu.memory_space<vmem>>, %arg6: memref<256x64xf32, #tpu.memory_space<vmem>>, %arg7: memref<!tpu.dma_semaphore, #tpu.memory_space<semaphore_mem>>) attributes {dimension_semantics = [#tpu.dimension_semantics<core_parallel>, #tpu.dimension_semantics<subcore_parallel>], iteration_bounds = array<i64: 2, 16>, scalar_prefetch = 0 : i64, scratch_operands = 3 : i64, tpu.core_type = #tpu.core_type<sc_vector_subcore>, window_params = [{transform_indices = #map}, {transform_indices = #map1}, {transform_indices = #map1}]} {
    %mul3A = arith.constant 2 : i32
    %mul3A_0 = arith.muli %arg1, %mul3A : i32
    %add3A = arith.addi %mul3A_0, %arg0 : i32
    %mul3A_1 = arith.constant 512 : i32
    %mul3A_2 = arith.muli %add3A, %mul3A_1 : i32
    "tpu.region"() ({
      %run_scoped3A = tpu.sem_alloc : memref<!tpu.dma_semaphore, #tpu.memory_space<semaphore_mem>>
      %dma_start3A = tpu.memref_slice %arg2[%mul3A_2] : memref<16384xi32, #tpu.memory_space<hbm>> -> memref<512xi32, #tpu.memory_space<hbm>>
      %dma_start3A_63 = tpu.memref_slice %arg2[%mul3A_2] : memref<16384xi32, #tpu.memory_space<hbm>> -> memref<512xi32, #tpu.memory_space<hbm>>
      tpu.enqueue_dma source(%dma_start3A_63 : memref<512xi32, #tpu.memory_space<hbm>>) target(%arg5 : memref<512xi32, #tpu.memory_space<vmem>>) target_semaphore(%run_scoped3A : memref<!tpu.dma_semaphore, #tpu.memory_space<semaphore_mem>>)
      %dma_wait3A_64 = tpu.memref_slice %arg2[%mul3A_2] : memref<16384xi32, #tpu.memory_space<hbm>> -> memref<512xi32, #tpu.memory_space<hbm>>
      %dma_wait3A_65 = tpu.memref_slice %arg2[%mul3A_2] : memref<16384xi32, #tpu.memory_space<hbm>> -> memref<512xi32, #tpu.memory_space<hbm>>
      tpu.wait_dma2 semaphore(%run_scoped3A : memref<!tpu.dma_semaphore, #tpu.memory_space<semaphore_mem>>) src(%dma_wait3A_65 : memref<512xi32, #tpu.memory_space<hbm>>) dst(%arg5 : memref<512xi32, #tpu.memory_space<vmem>>)
      tpu.yield
    }) : () -> ()
    %scan3A = arith.constant 0 : i32
    %scan3A_3 = arith.constant 16 : i32
    %scan3A_4 = arith.addi %scan3A, %scan3A_3 : i32
    %scan3A_5 = arith.constant 1 : i32
    scf.for %scan3A_63 = %scan3A to %scan3A_4 step %scan3A_5  : i32 {
      %mul3A_64 = arith.constant 1 : i32
      %mul3A_65 = arith.muli %scan3A_63, %mul3A_64 : i32
      %add3A_66 = arith.constant 0 : i32
      %add3A_67 = arith.addi %add3A_66, %mul3A_65 : i32
      %mul3A_68 = arith.constant 16 : i32
      %mul3A_69 = arith.muli %add3A_67, %mul3A_68 : i32
      %add3A_70 = arith.constant 0 : i32
      %add3A_71 = arith.addi %add3A_70, %mul3A_69 : i32
      %get3A = arith.index_cast %add3A_71 : i32 to index
      %get3A_72 = tpu.vector_load %arg5[%get3A] {strides = array<i32>} : memref<512xi32, #tpu.memory_space<vmem>>, vector<16xi32>,
      %get3A_73 = vector.shape_cast %get3A_72 : vector<16xi32> to vector<16xi32>
      %slice3A = vector.extract_strided_slice %get3A_73 {offsets = [0], sizes = [1], strides = [1]} : vector<16xi32> to vector<1xi32>
      %squeeze3A = vector.extract %slice3A[0] : i32 from vector<1xi32>
      %add3A_74 = arith.constant 0 : i32
      %add3A_75 = arith.addi %mul3A_69, %add3A_74 : i32
      %dma_start3A = arith.constant 0 : i32
      %dma_start3A_76 = tpu.memref_slice %arg6[%add3A_75, %dma_start3A] : memref<256x64xf32, #tpu.memory_space<vmem>> -> memref<1x64xf32, #tpu.memory_space<vmem>>
      %dma_start3A_77 = arith.constant 0 : i32
      %dma_start3A_78 = tpu.memref_slice %arg3[%squeeze3A, %dma_start3A_77] : memref<1000000x64xf32, #tpu.memory_space<hbm>> -> memref<1x64xf32, #tpu.memory_space<hbm>>
      %dma_start3A_79 = arith.constant 0 : i32
      %dma_start3A_80 = tpu.memref_slice %arg6[%add3A_75, %dma_start3A_79] : memref<256x64xf32, #tpu.memory_space<vmem>> -> memref<1x64xf32, #tpu.memory_space<vmem>>
      %dma_start3A_81 = arith.constant 0 : i32
      %dma_start3A_82 = tpu.memref_slice %arg3[%squeeze3A, %dma_start3A_81] : memref<1000000x64xf32, #tpu.memory_space<hbm>> -> memref<1x64xf32, #tpu.memory_space<hbm>>
      tpu.enqueue_dma source(%dma_start3A_82 : memref<1x64xf32, #tpu.memory_space<hbm>>) target(%dma_start3A_80 : memref<1x64xf32, #tpu.memory_space<vmem>>) target_semaphore(%arg7 : memref<!tpu.dma_semaphore, #tpu.memory_space<semaphore_mem>>)
      %slice3A_83 = vector.extract_strided_slice %get3A_73 {offsets = [1], sizes = [1], strides = [1]} : vector<16xi32> to vector<1xi32>
      %squeeze3A_84 = vector.extract %slice3A_83[0] : i32 from vector<1xi32>
      %add3A_85 = arith.constant 1 : i32
      %add3A_86 = arith.addi %mul3A_69, %add3A_85 : i32
      %dma_start3A_87 = arith.constant 0 : i32
      %dma_start3A_88 = tpu.memref_slice %arg6[%add3A_86, %dma_start3A_87] : memref<256x64xf32, #tpu.memory_space<vmem>> -> memref<1x64xf32, #tpu.memory_space<vmem>>
      %dma_start3A_89 = arith.constant 0 : i32
      %dma_start3A_90 = tpu.memref_slice %arg3[%squeeze3A_84, %dma_start3A_89] : memref<1000000x64xf32, #tpu.memory_space<hbm>> -> memref<1x64xf32, #tpu.memory_space<hbm>>
      %dma_start3A_91 = arith.constant 0 : i32
      %dma_start3A_92 = tpu.memref_slice %arg6[%add3A_86, %dma_start3A_91] : memref<256x64xf32, #tpu.memory_space<vmem>> -> memref<1x64xf32, #tpu.memory_space<vmem>>
      %dma_start3A_93 = arith.constant 0 : i32
      %dma_start3A_94 = tpu.memref_slice %arg3[%squeeze3A_84, %dma_start3A_93] : memref<1000000x64xf32, #tpu.memory_space<hbm>> -> memref<1x64xf32, #tpu.memory_space<hbm>>
      tpu.enqueue_dma source(%dma_start3A_94 : memref<1x64xf32, #tpu.memory_space<hbm>>) target(%dma_start3A_92 : memref<1x64xf32, #tpu.memory_space<vmem>>) target_semaphore(%arg7 : memref<!tpu.dma_semaphore, #tpu.memory_space<semaphore_mem>>)
      %slice3A_95 = vector.extract_strided_slice %get3A_73 {offsets = [2], sizes = [1], strides = [1]} : vector<16xi32> to vector<1xi32>
      %squeeze3A_96 = vector.extract %slice3A_95[0] : i32 from vector<1xi32>
      %add3A_97 = arith.constant 2 : i32
      %add3A_98 = arith.addi %mul3A_69, %add3A_97 : i32
      %dma_start3A_99 = arith.constant 0 : i32
      %dma_start3A_100 = tpu.memref_slice %arg6[%add3A_98, %dma_start3A_99] : memref<256x64xf32, #tpu.memory_space<vmem>> -> memref<1x64xf32, #tpu.memory_space<vmem>>
      %dma_start3A_101 = arith.constant 0 : i32
      %dma_start3A_102 = tpu.memref_slice %arg3[%squeeze3A_96, %dma_start3A_101] : memref<1000000x64xf32, #tpu.memory_space<hbm>> -> memref<1x64xf32, #tpu.memory_space<hbm>>
      %dma_start3A_103 = arith.constant 0 : i32
      %dma_start3A_104 = tpu.memref_slice %arg6[%add3A_98, %dma_start3A_103] : memref<256x64xf32, #tpu.memory_space<vmem>> -> memref<1x64xf32, #tpu.memory_space<vmem>>
      %dma_start3A_105 = arith.constant 0 : i32
      %dma_start3A_106 = tpu.memref_slice %arg3[%squeeze3A_96, %dma_start3A_105] : memref<1000000x64xf32, #tpu.memory_space<hbm>> -> memref<1x64xf32, #tpu.memory_space<hbm>>
      tpu.enqueue_dma source(%dma_start3A_106 : memref<1x64xf32, #tpu.memory_space<hbm>>) target(%dma_start3A_104 : memref<1x64xf32, #tpu.memory_space<vmem>>) target_semaphore(%arg7 : memref<!tpu.dma_semaphore, #tpu.memory_space<semaphore_mem>>)
      %slice3A_107 = vector.extract_strided_slice %get3A_73 {offsets = [3], sizes = [1], strides = [1]} : vector<16xi32> to vector<1xi32>
      %squeeze3A_108 = vector.extract %slice3A_107[0] : i32 from vector<1xi32>
      %add3A_109 = arith.constant 3 : i32
      %add3A_110 = arith.addi %mul3A_69, %add3A_109 : i32
      %dma_start3A_111 = arith.constant 0 : i32
      %dma_start3A_112 = tpu.memref_slice %arg6[%add3A_110, %dma_start3A_111] : memref<256x64xf32, #tpu.memory_space<vmem>> -> memref<1x64xf32, #tpu.memory_space<vmem>>
      %dma_start3A_113 = arith.constant 0 : i32
      %dma_start3A_114 = tpu.memref_slice %arg3[%squeeze3A_108, %dma_start3A_113] : memref<1000000x64xf32, #tpu.memory_space<hbm>> -> memref<1x64xf32, #tpu.memory_space<hbm>>
      %dma_start3A_115 = arith.constant 0 : i32
      %dma_start3A_116 = tpu.memref_slice %arg6[%add3A_110, %dma_start3A_115] : memref<256x64xf32, #tpu.memory_space<vmem>> -> memref<1x64xf32, #tpu.memory_space<vmem>>
      %dma_start3A_117 = arith.constant 0 : i32
      %dma_start3A_118 = tpu.memref_slice %arg3[%squeeze3A_108, %dma_start3A_117] : memref<1000000x64xf32, #tpu.memory_space<hbm>> -> memref<1x64xf32, #tpu.memory_space<hbm>>
      tpu.enqueue_dma source(%dma_start3A_118 : memref<1x64xf32, #tpu.memory_space<hbm>>) target(%dma_start3A_116 : memref<1x64xf32, #tpu.memory_space<vmem>>) target_semaphore(%arg7 : memref<!tpu.dma_semaphore, #tpu.memory_space<semaphore_mem>>)
      %slice3A_119 = vector.extract_strided_slice %get3A_73 {offsets = [4], sizes = [1], strides = [1]} : vector<16xi32> to vector<1xi32>
      %squeeze3A_120 = vector.extract %slice3A_119[0] : i32 from vector<1xi32>
      %add3A_121 = arith.constant 4 : i32
      %add3A_122 = arith.addi %mul3A_69, %add3A_121 : i32
      %dma_start3A_123 = arith.constant 0 : i32
      %dma_start3A_124 = tpu.memref_slice %arg6[%add3A_122, %dma_start3A_123] : memref<256x64xf32, #tpu.memory_space<vmem>> -> memref<1x64xf32, #tpu.memory_space<vmem>>
      %dma_start3A_125 = arith.constant 0 : i32
      %dma_start3A_126 = tpu.memref_slice %arg3[%squeeze3A_120, %dma_start3A_125] : memref<1000000x64xf32, #tpu.memory_space<hbm>> -> memref<1x64xf32, #tpu.memory_space<hbm>>
      %dma_start3A_127 = arith.constant 0 : i32
      %dma_start3A_128 = tpu.memref_slice %arg6[%add3A_122, %dma_start3A_127] : memref<256x64xf32, #tpu.memory_space<vmem>> -> memref<1x64xf32, #tpu.memory_space<vmem>>
      %dma_start3A_129 = arith.constant 0 : i32
      %dma_start3A_130 = tpu.memref_slice %arg3[%squeeze3A_120, %dma_start3A_129] : memref<1000000x64xf32, #tpu.memory_space<hbm>> -> memref<1x64xf32, #tpu.memory_space<hbm>>
      tpu.enqueue_dma source(%dma_start3A_130 : memref<1x64xf32, #tpu.memory_space<hbm>>) target(%dma_start3A_128 : memref<1x64xf32, #tpu.memory_space<vmem>>) target_semaphore(%arg7 : memref<!tpu.dma_semaphore, #tpu.memory_space<semaphore_mem>>)
      %slice3A_131 = vector.extract_strided_slice %get3A_73 {offsets = [5], sizes = [1], strides = [1]} : vector<16xi32> to vector<1xi32>
      %squeeze3A_132 = vector.extract %slice3A_131[0] : i32 from vector<1xi32>
      %add3A_133 = arith.constant 5 : i32
      %add3A_134 = arith.addi %mul3A_69, %add3A_133 : i32
      %dma_start3A_135 = arith.constant 0 : i32
      %dma_start3A_136 = tpu.memref_slice %arg6[%add3A_134, %dma_start3A_135] : memref<256x64xf32, #tpu.memory_space<vmem>> -> memref<1x64xf32, #tpu.memory_space<vmem>>
      %dma_start3A_137 = arith.constant 0 : i32
      %dma_start3A_138 = tpu.memref_slice %arg3[%squeeze3A_132, %dma_start3A_137] : memref<1000000x64xf32, #tpu.memory_space<hbm>> -> memref<1x64xf32, #tpu.memory_space<hbm>>
      %dma_start3A_139 = arith.constant 0 : i32
      %dma_start3A_140 = tpu.memref_slice %arg6[%add3A_134, %dma_start3A_139] : memref<256x64xf32, #tpu.memory_space<vmem>> -> memref<1x64xf32, #tpu.memory_space<vmem>>
      %dma_start3A_141 = arith.constant 0 : i32
      %dma_start3A_142 = tpu.memref_slice %arg3[%squeeze3A_132, %dma_start3A_141] : memref<1000000x64xf32, #tpu.memory_space<hbm>> -> memref<1x64xf32, #tpu.memory_space<hbm>>
      tpu.enqueue_dma source(%dma_start3A_142 : memref<1x64xf32, #tpu.memory_space<hbm>>) target(%dma_start3A_140 : memref<1x64xf32, #tpu.memory_space<vmem>>) target_semaphore(%arg7 : memref<!tpu.dma_semaphore, #tpu.memory_space<semaphore_mem>>)
      %slice3A_143 = vector.extract_strided_slice %get3A_73 {offsets = [6], sizes = [1], strides = [1]} : vector<16xi32> to vector<1xi32>
      %squeeze3A_144 = vector.extract %slice3A_143[0] : i32 from vector<1xi32>
      %add3A_145 = arith.constant 6 : i32
      %add3A_146 = arith.addi %mul3A_69, %add3A_145 : i32
      %dma_start3A_147 = arith.constant 0 : i32
      %dma_start3A_148 = tpu.memref_slice %arg6[%add3A_146, %dma_start3A_147] : memref<256x64xf32, #tpu.memory_space<vmem>> -> memref<1x64xf32, #tpu.memory_space<vmem>>
      %dma_start3A_149 = arith.constant 0 : i32
      %dma_start3A_150 = tpu.memref_slice %arg3[%squeeze3A_144, %dma_start3A_149] : memref<1000000x64xf32, #tpu.memory_space<hbm>> -> memref<1x64xf32, #tpu.memory_space<hbm>>
      %dma_start3A_151 = arith.constant 0 : i32
      %dma_start3A_152 = tpu.memref_slice %arg6[%add3A_146, %dma_start3A_151] : memref<256x64xf32, #tpu.memory_space<vmem>> -> memref<1x64xf32, #tpu.memory_space<vmem>>
      %dma_start3A_153 = arith.constant 0 : i32
      %dma_start3A_154 = tpu.memref_slice %arg3[%squeeze3A_144, %dma_start3A_153] : memref<1000000x64xf32, #tpu.memory_space<hbm>> -> memref<1x64xf32, #tpu.memory_space<hbm>>
      tpu.enqueue_dma source(%dma_start3A_154 : memref<1x64xf32, #tpu.memory_space<hbm>>) target(%dma_start3A_152 : memref<1x64xf32, #tpu.memory_space<vmem>>) target_semaphore(%arg7 : memref<!tpu.dma_semaphore, #tpu.memory_space<semaphore_mem>>)
      %slice3A_155 = vector.extract_strided_slice %get3A_73 {offsets = [7], sizes = [1], strides = [1]} : vector<16xi32> to vector<1xi32>
      %squeeze3A_156 = vector.extract %slice3A_155[0] : i32 from vector<1xi32>
      %add3A_157 = arith.constant 7 : i32
      %add3A_158 = arith.addi %mul3A_69, %add3A_157 : i32
      %dma_start3A_159 = arith.constant 0 : i32
      %dma_start3A_160 = tpu.memref_slice %arg6[%add3A_158, %dma_start3A_159] : memref<256x64xf32, #tpu.memory_space<vmem>> -> memref<1x64xf32, #tpu.memory_space<vmem>>
      %dma_start3A_161 = arith.constant 0 : i32
      %dma_start3A_162 = tpu.memref_slice %arg3[%squeeze3A_156, %dma_start3A_161] : memref<1000000x64xf32, #tpu.memory_space<hbm>> -> memref<1x64xf32, #tpu.memory_space<hbm>>
      %dma_start3A_163 = arith.constant 0 : i32
      %dma_start3A_164 = tpu.memref_slice %arg6[%add3A_158, %dma_start3A_163] : memref<256x64xf32, #tpu.memory_space<vmem>> -> memref<1x64xf32, #tpu.memory_space<vmem>>
      %dma_start3A_165 = arith.constant 0 : i32
      %dma_start3A_166 = tpu.memref_slice %arg3[%squeeze3A_156, %dma_start3A_165] : memref<1000000x64xf32, #tpu.memory_space<hbm>> -> memref<1x64xf32, #tpu.memory_space<hbm>>
      tpu.enqueue_dma source(%dma_start3A_166 : memref<1x64xf32, #tpu.memory_space<hbm>>) target(%dma_start3A_164 : memref<1x64xf32, #tpu.memory_space<vmem>>) target_semaphore(%arg7 : memref<!tpu.dma_semaphore, #tpu.memory_space<semaphore_mem>>)
      %slice3A_167 = vector.extract_strided_slice %get3A_73 {offsets = [8], sizes = [1], strides = [1]} : vector<16xi32> to vector<1xi32>
      %squeeze3A_168 = vector.extract %slice3A_167[0] : i32 from vector<1xi32>
      %add3A_169 = arith.constant 8 : i32
      %add3A_170 = arith.addi %mul3A_69, %add3A_169 : i32
      %dma_start3A_171 = arith.constant 0 : i32
      %dma_start3A_172 = tpu.memref_slice %arg6[%add3A_170, %dma_start3A_171] : memref<256x64xf32, #tpu.memory_space<vmem>> -> memref<1x64xf32, #tpu.memory_space<vmem>>
      %dma_start3A_173 = arith.constant 0 : i32
      %dma_start3A_174 = tpu.memref_slice %arg3[%squeeze3A_168, %dma_start3A_173] : memref<1000000x64xf32, #tpu.memory_space<hbm>> -> memref<1x64xf32, #tpu.memory_space<hbm>>
      %dma_start3A_175 = arith.constant 0 : i32
      %dma_start3A_176 = tpu.memref_slice %arg6[%add3A_170, %dma_start3A_175] : memref<256x64xf32, #tpu.memory_space<vmem>> -> memref<1x64xf32, #tpu.memory_space<vmem>>
      %dma_start3A_177 = arith.constant 0 : i32
      %dma_start3A_178 = tpu.memref_slice %arg3[%squeeze3A_168, %dma_start3A_177] : memref<1000000x64xf32, #tpu.memory_space<hbm>> -> memref<1x64xf32, #tpu.memory_space<hbm>>
      tpu.enqueue_dma source(%dma_start3A_178 : memref<1x64xf32, #tpu.memory_space<hbm>>) target(%dma_start3A_176 : memref<1x64xf32, #tpu.memory_space<vmem>>) target_semaphore(%arg7 : memref<!tpu.dma_semaphore, #tpu.memory_space<semaphore_mem>>)
      %slice3A_179 = vector.extract_strided_slice %get3A_73 {offsets = [9], sizes = [1], strides = [1]} : vector<16xi32> to vector<1xi32>
      %squeeze3A_180 = vector.extract %slice3A_179[0] : i32 from vector<1xi32>
      %add3A_181 = arith.constant 9 : i32
      %add3A_182 = arith.addi %mul3A_69, %add3A_181 : i32
      %dma_start3A_183 = arith.constant 0 : i32
      %dma_start3A_184 = tpu.memref_slice %arg6[%add3A_182, %dma_start3A_183] : memref<256x64xf32, #tpu.memory_space<vmem>> -> memref<1x64xf32, #tpu.memory_space<vmem>>
      %dma_start3A_185 = arith.constant 0 : i32
      %dma_start3A_186 = tpu.memref_slice %arg3[%squeeze3A_180, %dma_start3A_185] : memref<1000000x64xf32, #tpu.memory_space<hbm>> -> memref<1x64xf32, #tpu.memory_space<hbm>>
      %dma_start3A_187 = arith.constant 0 : i32
      %dma_start3A_188 = tpu.memref_slice %arg6[%add3A_182, %dma_start3A_187] : memref<256x64xf32, #tpu.memory_space<vmem>> -> memref<1x64xf32, #tpu.memory_space<vmem>>
      %dma_start3A_189 = arith.constant 0 : i32
      %dma_start3A_190 = tpu.memref_slice %arg3[%squeeze3A_180, %dma_start3A_189] : memref<1000000x64xf32, #tpu.memory_space<hbm>> -> memref<1x64xf32, #tpu.memory_space<hbm>>
      tpu.enqueue_dma source(%dma_start3A_190 : memref<1x64xf32, #tpu.memory_space<hbm>>) target(%dma_start3A_188 : memref<1x64xf32, #tpu.memory_space<vmem>>) target_semaphore(%arg7 : memref<!tpu.dma_semaphore, #tpu.memory_space<semaphore_mem>>)
      %slice3A_191 = vector.extract_strided_slice %get3A_73 {offsets = [10], sizes = [1], strides = [1]} : vector<16xi32> to vector<1xi32>
      %squeeze3A_192 = vector.extract %slice3A_191[0] : i32 from vector<1xi32>
      %add3A_193 = arith.constant 10 : i32
      %add3A_194 = arith.addi %mul3A_69, %add3A_193 : i32
      %dma_start3A_195 = arith.constant 0 : i32
      %dma_start3A_196 = tpu.memref_slice %arg6[%add3A_194, %dma_start3A_195] : memref<256x64xf32, #tpu.memory_space<vmem>> -> memref<1x64xf32, #tpu.memory_space<vmem>>
      %dma_start3A_197 = arith.constant 0 : i32
      %dma_start3A_198 = tpu.memref_slice %arg3[%squeeze3A_192, %dma_start3A_197] : memref<1000000x64xf32, #tpu.memory_space<hbm>> -> memref<1x64xf32, #tpu.memory_space<hbm>>
      %dma_start3A_199 = arith.constant 0 : i32
      %dma_start3A_200 = tpu.memref_slice %arg6[%add3A_194, %dma_start3A_199] : memref<256x64xf32, #tpu.memory_space<vmem>> -> memref<1x64xf32, #tpu.memory_space<vmem>>
      %dma_start3A_201 = arith.constant 0 : i32
      %dma_start3A_202 = tpu.memref_slice %arg3[%squeeze3A_192, %dma_start3A_201] : memref<1000000x64xf32, #tpu.memory_space<hbm>> -> memref<1x64xf32, #tpu.memory_space<hbm>>
      tpu.enqueue_dma source(%dma_start3A_202 : memref<1x64xf32, #tpu.memory_space<hbm>>) target(%dma_start3A_200 : memref<1x64xf32, #tpu.memory_space<vmem>>) target_semaphore(%arg7 : memref<!tpu.dma_semaphore, #tpu.memory_space<semaphore_mem>>)
      %slice3A_203 = vector.extract_strided_slice %get3A_73 {offsets = [11], sizes = [1], strides = [1]} : vector<16xi32> to vector<1xi32>
      %squeeze3A_204 = vector.extract %slice3A_203[0] : i32 from vector<1xi32>
      %add3A_205 = arith.constant 11 : i32
      %add3A_206 = arith.addi %mul3A_69, %add3A_205 : i32
      %dma_start3A_207 = arith.constant 0 : i32
      %dma_start3A_208 = tpu.memref_slice %arg6[%add3A_206, %dma_start3A_207] : memref<256x64xf32, #tpu.memory_space<vmem>> -> memref<1x64xf32, #tpu.memory_space<vmem>>
      %dma_start3A_209 = arith.constant 0 : i32
      %dma_start3A_210 = tpu.memref_slice %arg3[%squeeze3A_204, %dma_start3A_209] : memref<1000000x64xf32, #tpu.memory_space<hbm>> -> memref<1x64xf32, #tpu.memory_space<hbm>>
      %dma_start3A_211 = arith.constant 0 : i32
      %dma_start3A_212 = tpu.memref_slice %arg6[%add3A_206, %dma_start3A_211] : memref<256x64xf32, #tpu.memory_space<vmem>> -> memref<1x64xf32, #tpu.memory_space<vmem>>
      %dma_start3A_213 = arith.constant 0 : i32
      %dma_start3A_214 = tpu.memref_slice %arg3[%squeeze3A_204, %dma_start3A_213] : memref<1000000x64xf32, #tpu.memory_space<hbm>> -> memref<1x64xf32, #tpu.memory_space<hbm>>
      tpu.enqueue_dma source(%dma_start3A_214 : memref<1x64xf32, #tpu.memory_space<hbm>>) target(%dma_start3A_212 : memref<1x64xf32, #tpu.memory_space<vmem>>) target_semaphore(%arg7 : memref<!tpu.dma_semaphore, #tpu.memory_space<semaphore_mem>>)
      %slice3A_215 = vector.extract_strided_slice %get3A_73 {offsets = [12], sizes = [1], strides = [1]} : vector<16xi32> to vector<1xi32>
      %squeeze3A_216 = vector.extract %slice3A_215[0] : i32 from vector<1xi32>
      %add3A_217 = arith.constant 12 : i32
      %add3A_218 = arith.addi %mul3A_69, %add3A_217 : i32
      %dma_start3A_219 = arith.constant 0 : i32
      %dma_start3A_220 = tpu.memref_slice %arg6[%add3A_218, %dma_start3A_219] : memref<256x64xf32, #tpu.memory_space<vmem>> -> memref<1x64xf32, #tpu.memory_space<vmem>>
      %dma_start3A_221 = arith.constant 0 : i32
      %dma_start3A_222 = tpu.memref_slice %arg3[%squeeze3A_216, %dma_start3A_221] : memref<1000000x64xf32, #tpu.memory_space<hbm>> -> memref<1x64xf32, #tpu.memory_space<hbm>>
      %dma_start3A_223 = arith.constant 0 : i32
      %dma_start3A_224 = tpu.memref_slice %arg6[%add3A_218, %dma_start3A_223] : memref<256x64xf32, #tpu.memory_space<vmem>> -> memref<1x64xf32, #tpu.memory_space<vmem>>
      %dma_start3A_225 = arith.constant 0 : i32
      %dma_start3A_226 = tpu.memref_slice %arg3[%squeeze3A_216, %dma_start3A_225] : memref<1000000x64xf32, #tpu.memory_space<hbm>> -> memref<1x64xf32, #tpu.memory_space<hbm>>
      tpu.enqueue_dma source(%dma_start3A_226 : memref<1x64xf32, #tpu.memory_space<hbm>>) target(%dma_start3A_224 : memref<1x64xf32, #tpu.memory_space<vmem>>) target_semaphore(%arg7 : memref<!tpu.dma_semaphore, #tpu.memory_space<semaphore_mem>>)
      %slice3A_227 = vector.extract_strided_slice %get3A_73 {offsets = [13], sizes = [1], strides = [1]} : vector<16xi32> to vector<1xi32>
      %squeeze3A_228 = vector.extract %slice3A_227[0] : i32 from vector<1xi32>
      %add3A_229 = arith.constant 13 : i32
      %add3A_230 = arith.addi %mul3A_69, %add3A_229 : i32
      %dma_start3A_231 = arith.constant 0 : i32
      %dma_start3A_232 = tpu.memref_slice %arg6[%add3A_230, %dma_start3A_231] : memref<256x64xf32, #tpu.memory_space<vmem>> -> memref<1x64xf32, #tpu.memory_space<vmem>>
      %dma_start3A_233 = arith.constant 0 : i32
      %dma_start3A_234 = tpu.memref_slice %arg3[%squeeze3A_228, %dma_start3A_233] : memref<1000000x64xf32, #tpu.memory_space<hbm>> -> memref<1x64xf32, #tpu.memory_space<hbm>>
      %dma_start3A_235 = arith.constant 0 : i32
      %dma_start3A_236 = tpu.memref_slice %arg6[%add3A_230, %dma_start3A_235] : memref<256x64xf32, #tpu.memory_space<vmem>> -> memref<1x64xf32, #tpu.memory_space<vmem>>
      %dma_start3A_237 = arith.constant 0 : i32
      %dma_start3A_238 = tpu.memref_slice %arg3[%squeeze3A_228, %dma_start3A_237] : memref<1000000x64xf32, #tpu.memory_space<hbm>> -> memref<1x64xf32, #tpu.memory_space<hbm>>
      tpu.enqueue_dma source(%dma_start3A_238 : memref<1x64xf32, #tpu.memory_space<hbm>>) target(%dma_start3A_236 : memref<1x64xf32, #tpu.memory_space<vmem>>) target_semaphore(%arg7 : memref<!tpu.dma_semaphore, #tpu.memory_space<semaphore_mem>>)
      %slice3A_239 = vector.extract_strided_slice %get3A_73 {offsets = [14], sizes = [1], strides = [1]} : vector<16xi32> to vector<1xi32>
      %squeeze3A_240 = vector.extract %slice3A_239[0] : i32 from vector<1xi32>
      %add3A_241 = arith.constant 14 : i32
      %add3A_242 = arith.addi %mul3A_69, %add3A_241 : i32
      %dma_start3A_243 = arith.constant 0 : i32
      %dma_start3A_244 = tpu.memref_slice %arg6[%add3A_242, %dma_start3A_243] : memref<256x64xf32, #tpu.memory_space<vmem>> -> memref<1x64xf32, #tpu.memory_space<vmem>>
      %dma_start3A_245 = arith.constant 0 : i32
      %dma_start3A_246 = tpu.memref_slice %arg3[%squeeze3A_240, %dma_start3A_245] : memref<1000000x64xf32, #tpu.memory_space<hbm>> -> memref<1x64xf32, #tpu.memory_space<hbm>>
      %dma_start3A_247 = arith.constant 0 : i32
      %dma_start3A_248 = tpu.memref_slice %arg6[%add3A_242, %dma_start3A_247] : memref<256x64xf32, #tpu.memory_space<vmem>> -> memref<1x64xf32, #tpu.memory_space<vmem>>
      %dma_start3A_249 = arith.constant 0 : i32
      %dma_start3A_250 = tpu.memref_slice %arg3[%squeeze3A_240, %dma_start3A_249] : memref<1000000x64xf32, #tpu.memory_space<hbm>> -> memref<1x64xf32, #tpu.memory_space<hbm>>
      tpu.enqueue_dma source(%dma_start3A_250 : memref<1x64xf32, #tpu.memory_space<hbm>>) target(%dma_start3A_248 : memref<1x64xf32, #tpu.memory_space<vmem>>) target_semaphore(%arg7 : memref<!tpu.dma_semaphore, #tpu.memory_space<semaphore_mem>>)
      %slice3A_251 = vector.extract_strided_slice %get3A_73 {offsets = [15], sizes = [1], strides = [1]} : vector<16xi32> to vector<1xi32>
      %squeeze3A_252 = vector.extract %slice3A_251[0] : i32 from vector<1xi32>
      %add3A_253 = arith.constant 15 : i32
      %add3A_254 = arith.addi %mul3A_69, %add3A_253 : i32
      %dma_start3A_255 = arith.constant 0 : i32
      %dma_start3A_256 = tpu.memref_slice %arg6[%add3A_254, %dma_start3A_255] : memref<256x64xf32, #tpu.memory_space<vmem>> -> memref<1x64xf32, #tpu.memory_space<vmem>>
      %dma_start3A_257 = arith.constant 0 : i32
      %dma_start3A_258 = tpu.memref_slice %arg3[%squeeze3A_252, %dma_start3A_257] : memref<1000000x64xf32, #tpu.memory_space<hbm>> -> memref<1x64xf32, #tpu.memory_space<hbm>>
      %dma_start3A_259 = arith.constant 0 : i32
      %dma_start3A_260 = tpu.memref_slice %arg6[%add3A_254, %dma_start3A_259] : memref<256x64xf32, #tpu.memory_space<vmem>> -> memref<1x64xf32, #tpu.memory_space<vmem>>
      %dma_start3A_261 = arith.constant 0 : i32
      %dma_start3A_262 = tpu.memref_slice %arg3[%squeeze3A_252, %dma_start3A_261] : memref<1000000x64xf32, #tpu.memory_space<hbm>> -> memref<1x64xf32, #tpu.memory_space<hbm>>
      tpu.enqueue_dma source(%dma_start3A_262 : memref<1x64xf32, #tpu.memory_space<hbm>>) target(%dma_start3A_260 : memref<1x64xf32, #tpu.memory_space<vmem>>) target_semaphore(%arg7 : memref<!tpu.dma_semaphore, #tpu.memory_space<semaphore_mem>>)
      %ge3A = arith.constant 2 : i32
      %ge3A_263 = arith.cmpi sge, %add3A_67, %ge3A : i32
      %convert_element_type3A = arith.extui %ge3A_263 : i1 to i32
      %cond3A = arith.constant 0 : i32
      %cond3A_264 = arith.cmpi ne, %convert_element_type3A, %cond3A : i32
      scf.if %cond3A_264 {
        %dma_wait3A_265 = arith.constant 0 : i32
        %dma_wait3A_266 = arith.constant 0 : i32
        %dma_wait3A_267 = tpu.memref_slice %arg6[%dma_wait3A_265, %dma_wait3A_266] : memref<256x64xf32, #tpu.memory_space<vmem>> -> memref<16x64xf32, #tpu.memory_space<vmem>>
        %dma_wait3A_268 = arith.constant 0 : i32
        %dma_wait3A_269 = arith.constant 0 : i32
        %dma_wait3A_270 = tpu.memref_slice %arg3[%dma_wait3A_268, %dma_wait3A_269] : memref<1000000x64xf32, #tpu.memory_space<hbm>> -> memref<16x64xf32, #tpu.memory_space<hbm>>
        %dma_wait3A_271 = arith.constant 0 : i32
        %dma_wait3A_272 = arith.constant 0 : i32
        %dma_wait3A_273 = tpu.memref_slice %arg6[%dma_wait3A_271, %dma_wait3A_272] : memref<256x64xf32, #tpu.memory_space<vmem>> -> memref<16x64xf32, #tpu.memory_space<vmem>>
        %dma_wait3A_274 = arith.constant 0 : i32
        %dma_wait3A_275 = arith.constant 0 : i32
        %dma_wait3A_276 = tpu.memref_slice %arg3[%dma_wait3A_274, %dma_wait3A_275] : memref<1000000x64xf32, #tpu.memory_space<hbm>> -> memref<16x64xf32, #tpu.memory_space<hbm>>
        tpu.wait_dma2 semaphore(%arg7 : memref<!tpu.dma_semaphore, #tpu.memory_space<semaphore_mem>>) src(%dma_wait3A_276 : memref<16x64xf32, #tpu.memory_space<hbm>>) dst(%dma_wait3A_273 : memref<16x64xf32, #tpu.memory_space<vmem>>)
      } else {
      }
    }
    %scan3A_6 = arith.constant 16 : i32
    %dma_wait3A = arith.constant 0 : i32
    %dma_wait3A_7 = arith.constant 0 : i32
    %dma_wait3A_8 = tpu.memref_slice %arg6[%dma_wait3A, %dma_wait3A_7] : memref<256x64xf32, #tpu.memory_space<vmem>> -> memref<16x64xf32, #tpu.memory_space<vmem>>
    %dma_wait3A_9 = arith.constant 0 : i32
    %dma_wait3A_10 = arith.constant 0 : i32
    %dma_wait3A_11 = tpu.memref_slice %arg3[%dma_wait3A_9, %dma_wait3A_10] : memref<1000000x64xf32, #tpu.memory_space<hbm>> -> memref<16x64xf32, #tpu.memory_space<hbm>>
    %dma_wait3A_12 = arith.constant 0 : i32
    %dma_wait3A_13 = arith.constant 0 : i32
    %dma_wait3A_14 = tpu.memref_slice %arg6[%dma_wait3A_12, %dma_wait3A_13] : memref<256x64xf32, #tpu.memory_space<vmem>> -> memref<16x64xf32, #tpu.memory_space<vmem>>
    %dma_wait3A_15 = arith.constant 0 : i32
    %dma_wait3A_16 = arith.constant 0 : i32
    %dma_wait3A_17 = tpu.memref_slice %arg3[%dma_wait3A_15, %dma_wait3A_16] : memref<1000000x64xf32, #tpu.memory_space<hbm>> -> memref<16x64xf32, #tpu.memory_space<hbm>>
    tpu.wait_dma2 semaphore(%arg7 : memref<!tpu.dma_semaphore, #tpu.memory_space<semaphore_mem>>) src(%dma_wait3A_17 : memref<16x64xf32, #tpu.memory_space<hbm>>) dst(%dma_wait3A_14 : memref<16x64xf32, #tpu.memory_space<vmem>>)
    %dma_wait3A_18 = arith.constant 0 : i32
    %dma_wait3A_19 = arith.constant 0 : i32
    %dma_wait3A_20 = tpu.memref_slice %arg6[%dma_wait3A_18, %dma_wait3A_19] : memref<256x64xf32, #tpu.memory_space<vmem>> -> memref<16x64xf32, #tpu.memory_space<vmem>>
    %dma_wait3A_21 = arith.constant 0 : i32
    %dma_wait3A_22 = arith.constant 0 : i32
    %dma_wait3A_23 = tpu.memref_slice %arg3[%dma_wait3A_21, %dma_wait3A_22] : memref<1000000x64xf32, #tpu.memory_space<hbm>> -> memref<16x64xf32, #tpu.memory_space<hbm>>
    %dma_wait3A_24 = arith.constant 0 : i32
    %dma_wait3A_25 = arith.constant 0 : i32
    %dma_wait3A_26 = tpu.memref_slice %arg6[%dma_wait3A_24, %dma_wait3A_25] : memref<256x64xf32, #tpu.memory_space<vmem>> -> memref<16x64xf32, #tpu.memory_space<vmem>>
    %dma_wait3A_27 = arith.constant 0 : i32
    %dma_wait3A_28 = arith.constant 0 : i32
    %dma_wait3A_29 = tpu.memref_slice %arg3[%dma_wait3A_27, %dma_wait3A_28] : memref<1000000x64xf32, #tpu.memory_space<hbm>> -> memref<16x64xf32, #tpu.memory_space<hbm>>
    tpu.wait_dma2 semaphore(%arg7 : memref<!tpu.dma_semaphore, #tpu.memory_space<semaphore_mem>>) src(%dma_wait3A_29 : memref<16x64xf32, #tpu.memory_space<hbm>>) dst(%dma_wait3A_26 : memref<16x64xf32, #tpu.memory_space<vmem>>)
    %add3A_30 = arith.constant 0 : i32
    %add3A_31 = arith.addi %mul3A_2, %add3A_30 : i32
    "tpu.region"() ({
      %run_scoped3A = tpu.sem_alloc : memref<!tpu.dma_semaphore, #tpu.memory_space<semaphore_mem>>
      %dma_start3A = arith.constant 0 : i32
      %dma_start3A_63 = tpu.memref_slice %arg4[%add3A_31, %dma_start3A] : memref<16384x64xf32, #tpu.memory_space<hbm>> -> memref<256x64xf32, #tpu.memory_space<hbm>>
      %dma_start3A_64 = arith.constant 0 : i32
      %dma_start3A_65 = tpu.memref_slice %arg4[%add3A_31, %dma_start3A_64] : memref<16384x64xf32, #tpu.memory_space<hbm>> -> memref<256x64xf32, #tpu.memory_space<hbm>>
      tpu.enqueue_dma source(%arg6 : memref<256x64xf32, #tpu.memory_space<vmem>>) target(%dma_start3A_65 : memref<256x64xf32, #tpu.memory_space<hbm>>) target_semaphore(%run_scoped3A : memref<!tpu.dma_semaphore, #tpu.memory_space<semaphore_mem>>)
      %dma_wait3A_66 = arith.constant 0 : i32
      %dma_wait3A_67 = tpu.memref_slice %arg4[%add3A_31, %dma_wait3A_66] : memref<16384x64xf32, #tpu.memory_space<hbm>> -> memref<256x64xf32, #tpu.memory_space<hbm>>
      %dma_wait3A_68 = arith.constant 0 : i32
      %dma_wait3A_69 = tpu.memref_slice %arg4[%add3A_31, %dma_wait3A_68] : memref<16384x64xf32, #tpu.memory_space<hbm>> -> memref<256x64xf32, #tpu.memory_space<hbm>>
      tpu.wait_dma2 semaphore(%run_scoped3A : memref<!tpu.dma_semaphore, #tpu.memory_space<semaphore_mem>>) src(%arg6 : memref<256x64xf32, #tpu.memory_space<vmem>>) dst(%dma_wait3A_69 : memref<256x64xf32, #tpu.memory_space<hbm>>)
      tpu.yield
    }) : () -> ()
    %scan3A_32 = arith.constant 0 : i32
    %scan3A_33 = arith.constant 16 : i32
    %scan3A_34 = arith.addi %scan3A_32, %scan3A_33 : i32
    %scan3A_35 = arith.constant 1 : i32
    scf.for %scan3A_63 = %scan3A_32 to %scan3A_34 step %scan3A_35  : i32 {
      %mul3A_64 = arith.constant 1 : i32
      %mul3A_65 = arith.muli %scan3A_63, %mul3A_64 : i32
      %add3A_66 = arith.constant 0 : i32
      %add3A_67 = arith.addi %add3A_66, %mul3A_65 : i32
      %mul3A_68 = arith.constant 16 : i32
      %mul3A_69 = arith.muli %add3A_67, %mul3A_68 : i32
      %add3A_70 = arith.constant 256 : i32
      %add3A_71 = arith.addi %add3A_70, %mul3A_69 : i32
      %get3A = arith.index_cast %add3A_71 : i32 to index
      %get3A_72 = tpu.vector_load %arg5[%get3A] {strides = array<i32>} : memref<512xi32, #tpu.memory_space<vmem>>, vector<16xi32>,
      %get3A_73 = vector.shape_cast %get3A_72 : vector<16xi32> to vector<16xi32>
      %slice3A = vector.extract_strided_slice %get3A_73 {offsets = [0], sizes = [1], strides = [1]} : vector<16xi32> to vector<1xi32>
      %squeeze3A = vector.extract %slice3A[0] : i32 from vector<1xi32>
      %add3A_74 = arith.constant 0 : i32
      %add3A_75 = arith.addi %mul3A_69, %add3A_74 : i32
      %dma_start3A = arith.constant 0 : i32
      %dma_start3A_76 = tpu.memref_slice %arg6[%add3A_75, %dma_start3A] : memref<256x64xf32, #tpu.memory_space<vmem>> -> memref<1x64xf32, #tpu.memory_space<vmem>>
      %dma_start3A_77 = arith.constant 0 : i32
      %dma_start3A_78 = tpu.memref_slice %arg3[%squeeze3A, %dma_start3A_77] : memref<1000000x64xf32, #tpu.memory_space<hbm>> -> memref<1x64xf32, #tpu.memory_space<hbm>>
      %dma_start3A_79 = arith.constant 0 : i32
      %dma_start3A_80 = tpu.memref_slice %arg6[%add3A_75, %dma_start3A_79] : memref<256x64xf32, #tpu.memory_space<vmem>> -> memref<1x64xf32, #tpu.memory_space<vmem>>
      %dma_start3A_81 = arith.constant 0 : i32
      %dma_start3A_82 = tpu.memref_slice %arg3[%squeeze3A, %dma_start3A_81] : memref<1000000x64xf32, #tpu.memory_space<hbm>> -> memref<1x64xf32, #tpu.memory_space<hbm>>
      tpu.enqueue_dma source(%dma_start3A_82 : memref<1x64xf32, #tpu.memory_space<hbm>>) target(%dma_start3A_80 : memref<1x64xf32, #tpu.memory_space<vmem>>) target_semaphore(%arg7 : memref<!tpu.dma_semaphore, #tpu.memory_space<semaphore_mem>>)
      %slice3A_83 = vector.extract_strided_slice %get3A_73 {offsets = [1], sizes = [1], strides = [1]} : vector<16xi32> to vector<1xi32>
      %squeeze3A_84 = vector.extract %slice3A_83[0] : i32 from vector<1xi32>
      %add3A_85 = arith.constant 1 : i32
      %add3A_86 = arith.addi %mul3A_69, %add3A_85 : i32
      %dma_start3A_87 = arith.constant 0 : i32
      %dma_start3A_88 = tpu.memref_slice %arg6[%add3A_86, %dma_start3A_87] : memref<256x64xf32, #tpu.memory_space<vmem>> -> memref<1x64xf32, #tpu.memory_space<vmem>>
      %dma_start3A_89 = arith.constant 0 : i32
      %dma_start3A_90 = tpu.memref_slice %arg3[%squeeze3A_84, %dma_start3A_89] : memref<1000000x64xf32, #tpu.memory_space<hbm>> -> memref<1x64xf32, #tpu.memory_space<hbm>>
      %dma_start3A_91 = arith.constant 0 : i32
      %dma_start3A_92 = tpu.memref_slice %arg6[%add3A_86, %dma_start3A_91] : memref<256x64xf32, #tpu.memory_space<vmem>> -> memref<1x64xf32, #tpu.memory_space<vmem>>
      %dma_start3A_93 = arith.constant 0 : i32
      %dma_start3A_94 = tpu.memref_slice %arg3[%squeeze3A_84, %dma_start3A_93] : memref<1000000x64xf32, #tpu.memory_space<hbm>> -> memref<1x64xf32, #tpu.memory_space<hbm>>
      tpu.enqueue_dma source(%dma_start3A_94 : memref<1x64xf32, #tpu.memory_space<hbm>>) target(%dma_start3A_92 : memref<1x64xf32, #tpu.memory_space<vmem>>) target_semaphore(%arg7 : memref<!tpu.dma_semaphore, #tpu.memory_space<semaphore_mem>>)
      %slice3A_95 = vector.extract_strided_slice %get3A_73 {offsets = [2], sizes = [1], strides = [1]} : vector<16xi32> to vector<1xi32>
      %squeeze3A_96 = vector.extract %slice3A_95[0] : i32 from vector<1xi32>
      %add3A_97 = arith.constant 2 : i32
      %add3A_98 = arith.addi %mul3A_69, %add3A_97 : i32
      %dma_start3A_99 = arith.constant 0 : i32
      %dma_start3A_100 = tpu.memref_slice %arg6[%add3A_98, %dma_start3A_99] : memref<256x64xf32, #tpu.memory_space<vmem>> -> memref<1x64xf32, #tpu.memory_space<vmem>>
      %dma_start3A_101 = arith.constant 0 : i32
      %dma_start3A_102 = tpu.memref_slice %arg3[%squeeze3A_96, %dma_start3A_101] : memref<1000000x64xf32, #tpu.memory_space<hbm>> -> memref<1x64xf32, #tpu.memory_space<hbm>>
      %dma_start3A_103 = arith.constant 0 : i32
      %dma_start3A_104 = tpu.memref_slice %arg6[%add3A_98, %dma_start3A_103] : memref<256x64xf32, #tpu.memory_space<vmem>> -> memref<1x64xf32, #tpu.memory_space<vmem>>
      %dma_start3A_105 = arith.constant 0 : i32
      %dma_start3A_106 = tpu.memref_slice %arg3[%squeeze3A_96, %dma_start3A_105] : memref<1000000x64xf32, #tpu.memory_space<hbm>> -> memref<1x64xf32, #tpu.memory_space<hbm>>
      tpu.enqueue_dma source(%dma_start3A_106 : memref<1x64xf32, #tpu.memory_space<hbm>>) target(%dma_start3A_104 : memref<1x64xf32, #tpu.memory_space<vmem>>) target_semaphore(%arg7 : memref<!tpu.dma_semaphore, #tpu.memory_space<semaphore_mem>>)
      %slice3A_107 = vector.extract_strided_slice %get3A_73 {offsets = [3], sizes = [1], strides = [1]} : vector<16xi32> to vector<1xi32>
      %squeeze3A_108 = vector.extract %slice3A_107[0] : i32 from vector<1xi32>
      %add3A_109 = arith.constant 3 : i32
      %add3A_110 = arith.addi %mul3A_69, %add3A_109 : i32
      %dma_start3A_111 = arith.constant 0 : i32
      %dma_start3A_112 = tpu.memref_slice %arg6[%add3A_110, %dma_start3A_111] : memref<256x64xf32, #tpu.memory_space<vmem>> -> memref<1x64xf32, #tpu.memory_space<vmem>>
      %dma_start3A_113 = arith.constant 0 : i32
      %dma_start3A_114 = tpu.memref_slice %arg3[%squeeze3A_108, %dma_start3A_113] : memref<1000000x64xf32, #tpu.memory_space<hbm>> -> memref<1x64xf32, #tpu.memory_space<hbm>>
      %dma_start3A_115 = arith.constant 0 : i32
      %dma_start3A_116 = tpu.memref_slice %arg6[%add3A_110, %dma_start3A_115] : memref<256x64xf32, #tpu.memory_space<vmem>> -> memref<1x64xf32, #tpu.memory_space<vmem>>
      %dma_start3A_117 = arith.constant 0 : i32
      %dma_start3A_118 = tpu.memref_slice %arg3[%squeeze3A_108, %dma_start3A_117] : memref<1000000x64xf32, #tpu.memory_space<hbm>> -> memref<1x64xf32, #tpu.memory_space<hbm>>
      tpu.enqueue_dma source(%dma_start3A_118 : memref<1x64xf32, #tpu.memory_space<hbm>>) target(%dma_start3A_116 : memref<1x64xf32, #tpu.memory_space<vmem>>) target_semaphore(%arg7 : memref<!tpu.dma_semaphore, #tpu.memory_space<semaphore_mem>>)
      %slice3A_119 = vector.extract_strided_slice %get3A_73 {offsets = [4], sizes = [1], strides = [1]} : vector<16xi32> to vector<1xi32>
      %squeeze3A_120 = vector.extract %slice3A_119[0] : i32 from vector<1xi32>
      %add3A_121 = arith.constant 4 : i32
      %add3A_122 = arith.addi %mul3A_69, %add3A_121 : i32
      %dma_start3A_123 = arith.constant 0 : i32
      %dma_start3A_124 = tpu.memref_slice %arg6[%add3A_122, %dma_start3A_123] : memref<256x64xf32, #tpu.memory_space<vmem>> -> memref<1x64xf32, #tpu.memory_space<vmem>>
      %dma_start3A_125 = arith.constant 0 : i32
      %dma_start3A_126 = tpu.memref_slice %arg3[%squeeze3A_120, %dma_start3A_125] : memref<1000000x64xf32, #tpu.memory_space<hbm>> -> memref<1x64xf32, #tpu.memory_space<hbm>>
      %dma_start3A_127 = arith.constant 0 : i32
      %dma_start3A_128 = tpu.memref_slice %arg6[%add3A_122, %dma_start3A_127] : memref<256x64xf32, #tpu.memory_space<vmem>> -> memref<1x64xf32, #tpu.memory_space<vmem>>
      %dma_start3A_129 = arith.constant 0 : i32
      %dma_start3A_130 = tpu.memref_slice %arg3[%squeeze3A_120, %dma_start3A_129] : memref<1000000x64xf32, #tpu.memory_space<hbm>> -> memref<1x64xf32, #tpu.memory_space<hbm>>
      tpu.enqueue_dma source(%dma_start3A_130 : memref<1x64xf32, #tpu.memory_space<hbm>>) target(%dma_start3A_128 : memref<1x64xf32, #tpu.memory_space<vmem>>) target_semaphore(%arg7 : memref<!tpu.dma_semaphore, #tpu.memory_space<semaphore_mem>>)
      %slice3A_131 = vector.extract_strided_slice %get3A_73 {offsets = [5], sizes = [1], strides = [1]} : vector<16xi32> to vector<1xi32>
      %squeeze3A_132 = vector.extract %slice3A_131[0] : i32 from vector<1xi32>
      %add3A_133 = arith.constant 5 : i32
      %add3A_134 = arith.addi %mul3A_69, %add3A_133 : i32
      %dma_start3A_135 = arith.constant 0 : i32
      %dma_start3A_136 = tpu.memref_slice %arg6[%add3A_134, %dma_start3A_135] : memref<256x64xf32, #tpu.memory_space<vmem>> -> memref<1x64xf32, #tpu.memory_space<vmem>>
      %dma_start3A_137 = arith.constant 0 : i32
      %dma_start3A_138 = tpu.memref_slice %arg3[%squeeze3A_132, %dma_start3A_137] : memref<1000000x64xf32, #tpu.memory_space<hbm>> -> memref<1x64xf32, #tpu.memory_space<hbm>>
      %dma_start3A_139 = arith.constant 0 : i32
      %dma_start3A_140 = tpu.memref_slice %arg6[%add3A_134, %dma_start3A_139] : memref<256x64xf32, #tpu.memory_space<vmem>> -> memref<1x64xf32, #tpu.memory_space<vmem>>
      %dma_start3A_141 = arith.constant 0 : i32
      %dma_start3A_142 = tpu.memref_slice %arg3[%squeeze3A_132, %dma_start3A_141] : memref<1000000x64xf32, #tpu.memory_space<hbm>> -> memref<1x64xf32, #tpu.memory_space<hbm>>
      tpu.enqueue_dma source(%dma_start3A_142 : memref<1x64xf32, #tpu.memory_space<hbm>>) target(%dma_start3A_140 : memref<1x64xf32, #tpu.memory_space<vmem>>) target_semaphore(%arg7 : memref<!tpu.dma_semaphore, #tpu.memory_space<semaphore_mem>>)
      %slice3A_143 = vector.extract_strided_slice %get3A_73 {offsets = [6], sizes = [1], strides = [1]} : vector<16xi32> to vector<1xi32>
      %squeeze3A_144 = vector.extract %slice3A_143[0] : i32 from vector<1xi32>
      %add3A_145 = arith.constant 6 : i32
      %add3A_146 = arith.addi %mul3A_69, %add3A_145 : i32
      %dma_start3A_147 = arith.constant 0 : i32
      %dma_start3A_148 = tpu.memref_slice %arg6[%add3A_146, %dma_start3A_147] : memref<256x64xf32, #tpu.memory_space<vmem>> -> memref<1x64xf32, #tpu.memory_space<vmem>>
      %dma_start3A_149 = arith.constant 0 : i32
      %dma_start3A_150 = tpu.memref_slice %arg3[%squeeze3A_144, %dma_start3A_149] : memref<1000000x64xf32, #tpu.memory_space<hbm>> -> memref<1x64xf32, #tpu.memory_space<hbm>>
      %dma_start3A_151 = arith.constant 0 : i32
      %dma_start3A_152 = tpu.memref_slice %arg6[%add3A_146, %dma_start3A_151] : memref<256x64xf32, #tpu.memory_space<vmem>> -> memref<1x64xf32, #tpu.memory_space<vmem>>
      %dma_start3A_153 = arith.constant 0 : i32
      %dma_start3A_154 = tpu.memref_slice %arg3[%squeeze3A_144, %dma_start3A_153] : memref<1000000x64xf32, #tpu.memory_space<hbm>> -> memref<1x64xf32, #tpu.memory_space<hbm>>
      tpu.enqueue_dma source(%dma_start3A_154 : memref<1x64xf32, #tpu.memory_space<hbm>>) target(%dma_start3A_152 : memref<1x64xf32, #tpu.memory_space<vmem>>) target_semaphore(%arg7 : memref<!tpu.dma_semaphore, #tpu.memory_space<semaphore_mem>>)
      %slice3A_155 = vector.extract_strided_slice %get3A_73 {offsets = [7], sizes = [1], strides = [1]} : vector<16xi32> to vector<1xi32>
      %squeeze3A_156 = vector.extract %slice3A_155[0] : i32 from vector<1xi32>
      %add3A_157 = arith.constant 7 : i32
      %add3A_158 = arith.addi %mul3A_69, %add3A_157 : i32
      %dma_start3A_159 = arith.constant 0 : i32
      %dma_start3A_160 = tpu.memref_slice %arg6[%add3A_158, %dma_start3A_159] : memref<256x64xf32, #tpu.memory_space<vmem>> -> memref<1x64xf32, #tpu.memory_space<vmem>>
      %dma_start3A_161 = arith.constant 0 : i32
      %dma_start3A_162 = tpu.memref_slice %arg3[%squeeze3A_156, %dma_start3A_161] : memref<1000000x64xf32, #tpu.memory_space<hbm>> -> memref<1x64xf32, #tpu.memory_space<hbm>>
      %dma_start3A_163 = arith.constant 0 : i32
      %dma_start3A_164 = tpu.memref_slice %arg6[%add3A_158, %dma_start3A_163] : memref<256x64xf32, #tpu.memory_space<vmem>> -> memref<1x64xf32, #tpu.memory_space<vmem>>
      %dma_start3A_165 = arith.constant 0 : i32
      %dma_start3A_166 = tpu.memref_slice %arg3[%squeeze3A_156, %dma_start3A_165] : memref<1000000x64xf32, #tpu.memory_space<hbm>> -> memref<1x64xf32, #tpu.memory_space<hbm>>
      tpu.enqueue_dma source(%dma_start3A_166 : memref<1x64xf32, #tpu.memory_space<hbm>>) target(%dma_start3A_164 : memref<1x64xf32, #tpu.memory_space<vmem>>) target_semaphore(%arg7 : memref<!tpu.dma_semaphore, #tpu.memory_space<semaphore_mem>>)
      %slice3A_167 = vector.extract_strided_slice %get3A_73 {offsets = [8], sizes = [1], strides = [1]} : vector<16xi32> to vector<1xi32>
      %squeeze3A_168 = vector.extract %slice3A_167[0] : i32 from vector<1xi32>
      %add3A_169 = arith.constant 8 : i32
      %add3A_170 = arith.addi %mul3A_69, %add3A_169 : i32
      %dma_start3A_171 = arith.constant 0 : i32
      %dma_start3A_172 = tpu.memref_slice %arg6[%add3A_170, %dma_start3A_171] : memref<256x64xf32, #tpu.memory_space<vmem>> -> memref<1x64xf32, #tpu.memory_space<vmem>>
      %dma_start3A_173 = arith.constant 0 : i32
      %dma_start3A_174 = tpu.memref_slice %arg3[%squeeze3A_168, %dma_start3A_173] : memref<1000000x64xf32, #tpu.memory_space<hbm>> -> memref<1x64xf32, #tpu.memory_space<hbm>>
      %dma_start3A_175 = arith.constant 0 : i32
      %dma_start3A_176 = tpu.memref_slice %arg6[%add3A_170, %dma_start3A_175] : memref<256x64xf32, #tpu.memory_space<vmem>> -> memref<1x64xf32, #tpu.memory_space<vmem>>
      %dma_start3A_177 = arith.constant 0 : i32
      %dma_start3A_178 = tpu.memref_slice %arg3[%squeeze3A_168, %dma_start3A_177] : memref<1000000x64xf32, #tpu.memory_space<hbm>> -> memref<1x64xf32, #tpu.memory_space<hbm>>
      tpu.enqueue_dma source(%dma_start3A_178 : memref<1x64xf32, #tpu.memory_space<hbm>>) target(%dma_start3A_176 : memref<1x64xf32, #tpu.memory_space<vmem>>) target_semaphore(%arg7 : memref<!tpu.dma_semaphore, #tpu.memory_space<semaphore_mem>>)
      %slice3A_179 = vector.extract_strided_slice %get3A_73 {offsets = [9], sizes = [1], strides = [1]} : vector<16xi32> to vector<1xi32>
      %squeeze3A_180 = vector.extract %slice3A_179[0] : i32 from vector<1xi32>
      %add3A_181 = arith.constant 9 : i32
      %add3A_182 = arith.addi %mul3A_69, %add3A_181 : i32
      %dma_start3A_183 = arith.constant 0 : i32
      %dma_start3A_184 = tpu.memref_slice %arg6[%add3A_182, %dma_start3A_183] : memref<256x64xf32, #tpu.memory_space<vmem>> -> memref<1x64xf32, #tpu.memory_space<vmem>>
      %dma_start3A_185 = arith.constant 0 : i32
      %dma_start3A_186 = tpu.memref_slice %arg3[%squeeze3A_180, %dma_start3A_185] : memref<1000000x64xf32, #tpu.memory_space<hbm>> -> memref<1x64xf32, #tpu.memory_space<hbm>>
      %dma_start3A_187 = arith.constant 0 : i32
      %dma_start3A_188 = tpu.memref_slice %arg6[%add3A_182, %dma_start3A_187] : memref<256x64xf32, #tpu.memory_space<vmem>> -> memref<1x64xf32, #tpu.memory_space<vmem>>
      %dma_start3A_189 = arith.constant 0 : i32
      %dma_start3A_190 = tpu.memref_slice %arg3[%squeeze3A_180, %dma_start3A_189] : memref<1000000x64xf32, #tpu.memory_space<hbm>> -> memref<1x64xf32, #tpu.memory_space<hbm>>
      tpu.enqueue_dma source(%dma_start3A_190 : memref<1x64xf32, #tpu.memory_space<hbm>>) target(%dma_start3A_188 : memref<1x64xf32, #tpu.memory_space<vmem>>) target_semaphore(%arg7 : memref<!tpu.dma_semaphore, #tpu.memory_space<semaphore_mem>>)
      %slice3A_191 = vector.extract_strided_slice %get3A_73 {offsets = [10], sizes = [1], strides = [1]} : vector<16xi32> to vector<1xi32>
      %squeeze3A_192 = vector.extract %slice3A_191[0] : i32 from vector<1xi32>
      %add3A_193 = arith.constant 10 : i32
      %add3A_194 = arith.addi %mul3A_69, %add3A_193 : i32
      %dma_start3A_195 = arith.constant 0 : i32
      %dma_start3A_196 = tpu.memref_slice %arg6[%add3A_194, %dma_start3A_195] : memref<256x64xf32, #tpu.memory_space<vmem>> -> memref<1x64xf32, #tpu.memory_space<vmem>>
      %dma_start3A_197 = arith.constant 0 : i32
      %dma_start3A_198 = tpu.memref_slice %arg3[%squeeze3A_192, %dma_start3A_197] : memref<1000000x64xf32, #tpu.memory_space<hbm>> -> memref<1x64xf32, #tpu.memory_space<hbm>>
      %dma_start3A_199 = arith.constant 0 : i32
      %dma_start3A_200 = tpu.memref_slice %arg6[%add3A_194, %dma_start3A_199] : memref<256x64xf32, #tpu.memory_space<vmem>> -> memref<1x64xf32, #tpu.memory_space<vmem>>
      %dma_start3A_201 = arith.constant 0 : i32
      %dma_start3A_202 = tpu.memref_slice %arg3[%squeeze3A_192, %dma_start3A_201] : memref<1000000x64xf32, #tpu.memory_space<hbm>> -> memref<1x64xf32, #tpu.memory_space<hbm>>
      tpu.enqueue_dma source(%dma_start3A_202 : memref<1x64xf32, #tpu.memory_space<hbm>>) target(%dma_start3A_200 : memref<1x64xf32, #tpu.memory_space<vmem>>) target_semaphore(%arg7 : memref<!tpu.dma_semaphore, #tpu.memory_space<semaphore_mem>>)
      %slice3A_203 = vector.extract_strided_slice %get3A_73 {offsets = [11], sizes = [1], strides = [1]} : vector<16xi32> to vector<1xi32>
      %squeeze3A_204 = vector.extract %slice3A_203[0] : i32 from vector<1xi32>
      %add3A_205 = arith.constant 11 : i32
      %add3A_206 = arith.addi %mul3A_69, %add3A_205 : i32
      %dma_start3A_207 = arith.constant 0 : i32
      %dma_start3A_208 = tpu.memref_slice %arg6[%add3A_206, %dma_start3A_207] : memref<256x64xf32, #tpu.memory_space<vmem>> -> memref<1x64xf32, #tpu.memory_space<vmem>>
      %dma_start3A_209 = arith.constant 0 : i32
      %dma_start3A_210 = tpu.memref_slice %arg3[%squeeze3A_204, %dma_start3A_209] : memref<1000000x64xf32, #tpu.memory_space<hbm>> -> memref<1x64xf32, #tpu.memory_space<hbm>>
      %dma_start3A_211 = arith.constant 0 : i32
      %dma_start3A_212 = tpu.memref_slice %arg6[%add3A_206, %dma_start3A_211] : memref<256x64xf32, #tpu.memory_space<vmem>> -> memref<1x64xf32, #tpu.memory_space<vmem>>
      %dma_start3A_213 = arith.constant 0 : i32
      %dma_start3A_214 = tpu.memref_slice %arg3[%squeeze3A_204, %dma_start3A_213] : memref<1000000x64xf32, #tpu.memory_space<hbm>> -> memref<1x64xf32, #tpu.memory_space<hbm>>
      tpu.enqueue_dma source(%dma_start3A_214 : memref<1x64xf32, #tpu.memory_space<hbm>>) target(%dma_start3A_212 : memref<1x64xf32, #tpu.memory_space<vmem>>) target_semaphore(%arg7 : memref<!tpu.dma_semaphore, #tpu.memory_space<semaphore_mem>>)
      %slice3A_215 = vector.extract_strided_slice %get3A_73 {offsets = [12], sizes = [1], strides = [1]} : vector<16xi32> to vector<1xi32>
      %squeeze3A_216 = vector.extract %slice3A_215[0] : i32 from vector<1xi32>
      %add3A_217 = arith.constant 12 : i32
      %add3A_218 = arith.addi %mul3A_69, %add3A_217 : i32
      %dma_start3A_219 = arith.constant 0 : i32
      %dma_start3A_220 = tpu.memref_slice %arg6[%add3A_218, %dma_start3A_219] : memref<256x64xf32, #tpu.memory_space<vmem>> -> memref<1x64xf32, #tpu.memory_space<vmem>>
      %dma_start3A_221 = arith.constant 0 : i32
      %dma_start3A_222 = tpu.memref_slice %arg3[%squeeze3A_216, %dma_start3A_221] : memref<1000000x64xf32, #tpu.memory_space<hbm>> -> memref<1x64xf32, #tpu.memory_space<hbm>>
      %dma_start3A_223 = arith.constant 0 : i32
      %dma_start3A_224 = tpu.memref_slice %arg6[%add3A_218, %dma_start3A_223] : memref<256x64xf32, #tpu.memory_space<vmem>> -> memref<1x64xf32, #tpu.memory_space<vmem>>
      %dma_start3A_225 = arith.constant 0 : i32
      %dma_start3A_226 = tpu.memref_slice %arg3[%squeeze3A_216, %dma_start3A_225] : memref<1000000x64xf32, #tpu.memory_space<hbm>> -> memref<1x64xf32, #tpu.memory_space<hbm>>
      tpu.enqueue_dma source(%dma_start3A_226 : memref<1x64xf32, #tpu.memory_space<hbm>>) target(%dma_start3A_224 : memref<1x64xf32, #tpu.memory_space<vmem>>) target_semaphore(%arg7 : memref<!tpu.dma_semaphore, #tpu.memory_space<semaphore_mem>>)
      %slice3A_227 = vector.extract_strided_slice %get3A_73 {offsets = [13], sizes = [1], strides = [1]} : vector<16xi32> to vector<1xi32>
      %squeeze3A_228 = vector.extract %slice3A_227[0] : i32 from vector<1xi32>
      %add3A_229 = arith.constant 13 : i32
      %add3A_230 = arith.addi %mul3A_69, %add3A_229 : i32
      %dma_start3A_231 = arith.constant 0 : i32
      %dma_start3A_232 = tpu.memref_slice %arg6[%add3A_230, %dma_start3A_231] : memref<256x64xf32, #tpu.memory_space<vmem>> -> memref<1x64xf32, #tpu.memory_space<vmem>>
      %dma_start3A_233 = arith.constant 0 : i32
      %dma_start3A_234 = tpu.memref_slice %arg3[%squeeze3A_228, %dma_start3A_233] : memref<1000000x64xf32, #tpu.memory_space<hbm>> -> memref<1x64xf32, #tpu.memory_space<hbm>>
      %dma_start3A_235 = arith.constant 0 : i32
      %dma_start3A_236 = tpu.memref_slice %arg6[%add3A_230, %dma_start3A_235] : memref<256x64xf32, #tpu.memory_space<vmem>> -> memref<1x64xf32, #tpu.memory_space<vmem>>
      %dma_start3A_237 = arith.constant 0 : i32
      %dma_start3A_238 = tpu.memref_slice %arg3[%squeeze3A_228, %dma_start3A_237] : memref<1000000x64xf32, #tpu.memory_space<hbm>> -> memref<1x64xf32, #tpu.memory_space<hbm>>
      tpu.enqueue_dma source(%dma_start3A_238 : memref<1x64xf32, #tpu.memory_space<hbm>>) target(%dma_start3A_236 : memref<1x64xf32, #tpu.memory_space<vmem>>) target_semaphore(%arg7 : memref<!tpu.dma_semaphore, #tpu.memory_space<semaphore_mem>>)
      %slice3A_239 = vector.extract_strided_slice %get3A_73 {offsets = [14], sizes = [1], strides = [1]} : vector<16xi32> to vector<1xi32>
      %squeeze3A_240 = vector.extract %slice3A_239[0] : i32 from vector<1xi32>
      %add3A_241 = arith.constant 14 : i32
      %add3A_242 = arith.addi %mul3A_69, %add3A_241 : i32
      %dma_start3A_243 = arith.constant 0 : i32
      %dma_start3A_244 = tpu.memref_slice %arg6[%add3A_242, %dma_start3A_243] : memref<256x64xf32, #tpu.memory_space<vmem>> -> memref<1x64xf32, #tpu.memory_space<vmem>>
      %dma_start3A_245 = arith.constant 0 : i32
      %dma_start3A_246 = tpu.memref_slice %arg3[%squeeze3A_240, %dma_start3A_245] : memref<1000000x64xf32, #tpu.memory_space<hbm>> -> memref<1x64xf32, #tpu.memory_space<hbm>>
      %dma_start3A_247 = arith.constant 0 : i32
      %dma_start3A_248 = tpu.memref_slice %arg6[%add3A_242, %dma_start3A_247] : memref<256x64xf32, #tpu.memory_space<vmem>> -> memref<1x64xf32, #tpu.memory_space<vmem>>
      %dma_start3A_249 = arith.constant 0 : i32
      %dma_start3A_250 = tpu.memref_slice %arg3[%squeeze3A_240, %dma_start3A_249] : memref<1000000x64xf32, #tpu.memory_space<hbm>> -> memref<1x64xf32, #tpu.memory_space<hbm>>
      tpu.enqueue_dma source(%dma_start3A_250 : memref<1x64xf32, #tpu.memory_space<hbm>>) target(%dma_start3A_248 : memref<1x64xf32, #tpu.memory_space<vmem>>) target_semaphore(%arg7 : memref<!tpu.dma_semaphore, #tpu.memory_space<semaphore_mem>>)
      %slice3A_251 = vector.extract_strided_slice %get3A_73 {offsets = [15], sizes = [1], strides = [1]} : vector<16xi32> to vector<1xi32>
      %squeeze3A_252 = vector.extract %slice3A_251[0] : i32 from vector<1xi32>
      %add3A_253 = arith.constant 15 : i32
      %add3A_254 = arith.addi %mul3A_69, %add3A_253 : i32
      %dma_start3A_255 = arith.constant 0 : i32
      %dma_start3A_256 = tpu.memref_slice %arg6[%add3A_254, %dma_start3A_255] : memref<256x64xf32, #tpu.memory_space<vmem>> -> memref<1x64xf32, #tpu.memory_space<vmem>>
      %dma_start3A_257 = arith.constant 0 : i32
      %dma_start3A_258 = tpu.memref_slice %arg3[%squeeze3A_252, %dma_start3A_257] : memref<1000000x64xf32, #tpu.memory_space<hbm>> -> memref<1x64xf32, #tpu.memory_space<hbm>>
      %dma_start3A_259 = arith.constant 0 : i32
      %dma_start3A_260 = tpu.memref_slice %arg6[%add3A_254, %dma_start3A_259] : memref<256x64xf32, #tpu.memory_space<vmem>> -> memref<1x64xf32, #tpu.memory_space<vmem>>
      %dma_start3A_261 = arith.constant 0 : i32
      %dma_start3A_262 = tpu.memref_slice %arg3[%squeeze3A_252, %dma_start3A_261] : memref<1000000x64xf32, #tpu.memory_space<hbm>> -> memref<1x64xf32, #tpu.memory_space<hbm>>
      tpu.enqueue_dma source(%dma_start3A_262 : memref<1x64xf32, #tpu.memory_space<hbm>>) target(%dma_start3A_260 : memref<1x64xf32, #tpu.memory_space<vmem>>) target_semaphore(%arg7 : memref<!tpu.dma_semaphore, #tpu.memory_space<semaphore_mem>>)
      %ge3A = arith.constant 2 : i32
      %ge3A_263 = arith.cmpi sge, %add3A_67, %ge3A : i32
      %convert_element_type3A = arith.extui %ge3A_263 : i1 to i32
      %cond3A = arith.constant 0 : i32
      %cond3A_264 = arith.cmpi ne, %convert_element_type3A, %cond3A : i32
      scf.if %cond3A_264 {
        %dma_wait3A_265 = arith.constant 0 : i32
        %dma_wait3A_266 = arith.constant 0 : i32
        %dma_wait3A_267 = tpu.memref_slice %arg6[%dma_wait3A_265, %dma_wait3A_266] : memref<256x64xf32, #tpu.memory_space<vmem>> -> memref<16x64xf32, #tpu.memory_space<vmem>>
        %dma_wait3A_268 = arith.constant 0 : i32
        %dma_wait3A_269 = arith.constant 0 : i32
        %dma_wait3A_270 = tpu.memref_slice %arg3[%dma_wait3A_268, %dma_wait3A_269] : memref<1000000x64xf32, #tpu.memory_space<hbm>> -> memref<16x64xf32, #tpu.memory_space<hbm>>
        %dma_wait3A_271 = arith.constant 0 : i32
        %dma_wait3A_272 = arith.constant 0 : i32
        %dma_wait3A_273 = tpu.memref_slice %arg6[%dma_wait3A_271, %dma_wait3A_272] : memref<256x64xf32, #tpu.memory_space<vmem>> -> memref<16x64xf32, #tpu.memory_space<vmem>>
        %dma_wait3A_274 = arith.constant 0 : i32
        %dma_wait3A_275 = arith.constant 0 : i32
        %dma_wait3A_276 = tpu.memref_slice %arg3[%dma_wait3A_274, %dma_wait3A_275] : memref<1000000x64xf32, #tpu.memory_space<hbm>> -> memref<16x64xf32, #tpu.memory_space<hbm>>
        tpu.wait_dma2 semaphore(%arg7 : memref<!tpu.dma_semaphore, #tpu.memory_space<semaphore_mem>>) src(%dma_wait3A_276 : memref<16x64xf32, #tpu.memory_space<hbm>>) dst(%dma_wait3A_273 : memref<16x64xf32, #tpu.memory_space<vmem>>)
      } else {
      }
    }
    %scan3A_36 = arith.constant 16 : i32
    %dma_wait3A_37 = arith.constant 0 : i32
    %dma_wait3A_38 = arith.constant 0 : i32
    %dma_wait3A_39 = tpu.memref_slice %arg6[%dma_wait3A_37, %dma_wait3A_38] : memref<256x64xf32, #tpu.memory_space<vmem>> -> memref<16x64xf32, #tpu.memory_space<vmem>>
    %dma_wait3A_40 = arith.constant 0 : i32
    %dma_wait3A_41 = arith.constant 0 : i32
    %dma_wait3A_42 = tpu.memref_slice %arg3[%dma_wait3A_40, %dma_wait3A_41] : memref<1000000x64xf32, #tpu.memory_space<hbm>> -> memref<16x64xf32, #tpu.memory_space<hbm>>
    %dma_wait3A_43 = arith.constant 0 : i32
    %dma_wait3A_44 = arith.constant 0 : i32
    %dma_wait3A_45 = tpu.memref_slice %arg6[%dma_wait3A_43, %dma_wait3A_44] : memref<256x64xf32, #tpu.memory_space<vmem>> -> memref<16x64xf32, #tpu.memory_space<vmem>>
    %dma_wait3A_46 = arith.constant 0 : i32
    %dma_wait3A_47 = arith.constant 0 : i32
    %dma_wait3A_48 = tpu.memref_slice %arg3[%dma_wait3A_46, %dma_wait3A_47] : memref<1000000x64xf32, #tpu.memory_space<hbm>> -> memref<16x64xf32, #tpu.memory_space<hbm>>
    tpu.wait_dma2 semaphore(%arg7 : memref<!tpu.dma_semaphore, #tpu.memory_space<semaphore_mem>>) src(%dma_wait3A_48 : memref<16x64xf32, #tpu.memory_space<hbm>>) dst(%dma_wait3A_45 : memref<16x64xf32, #tpu.memory_space<vmem>>)
    %dma_wait3A_49 = arith.constant 0 : i32
    %dma_wait3A_50 = arith.constant 0 : i32
    %dma_wait3A_51 = tpu.memref_slice %arg6[%dma_wait3A_49, %dma_wait3A_50] : memref<256x64xf32, #tpu.memory_space<vmem>> -> memref<16x64xf32, #tpu.memory_space<vmem>>
    %dma_wait3A_52 = arith.constant 0 : i32
    %dma_wait3A_53 = arith.constant 0 : i32
    %dma_wait3A_54 = tpu.memref_slice %arg3[%dma_wait3A_52, %dma_wait3A_53] : memref<1000000x64xf32, #tpu.memory_space<hbm>> -> memref<16x64xf32, #tpu.memory_space<hbm>>
    %dma_wait3A_55 = arith.constant 0 : i32
    %dma_wait3A_56 = arith.constant 0 : i32
    %dma_wait3A_57 = tpu.memref_slice %arg6[%dma_wait3A_55, %dma_wait3A_56] : memref<256x64xf32, #tpu.memory_space<vmem>> -> memref<16x64xf32, #tpu.memory_space<vmem>>
    %dma_wait3A_58 = arith.constant 0 : i32
    %dma_wait3A_59 = arith.constant 0 : i32
    %dma_wait3A_60 = tpu.memref_slice %arg3[%dma_wait3A_58, %dma_wait3A_59] : memref<1000000x64xf32, #tpu.memory_space<hbm>> -> memref<16x64xf32, #tpu.memory_space<hbm>>
    tpu.wait_dma2 semaphore(%arg7 : memref<!tpu.dma_semaphore, #tpu.memory_space<semaphore_mem>>) src(%dma_wait3A_60 : memref<16x64xf32, #tpu.memory_space<hbm>>) dst(%dma_wait3A_57 : memref<16x64xf32, #tpu.memory_space<vmem>>)
    %add3A_61 = arith.constant 256 : i32
    %add3A_62 = arith.addi %mul3A_2, %add3A_61 : i32
    "tpu.region"() ({
      %run_scoped3A = tpu.sem_alloc : memref<!tpu.dma_semaphore, #tpu.memory_space<semaphore_mem>>
      %dma_start3A = arith.constant 0 : i32
      %dma_start3A_63 = tpu.memref_slice %arg4[%add3A_62, %dma_start3A] : memref<16384x64xf32, #tpu.memory_space<hbm>> -> memref<256x64xf32, #tpu.memory_space<hbm>>
      %dma_start3A_64 = arith.constant 0 : i32
      %dma_start3A_65 = tpu.memref_slice %arg4[%add3A_62, %dma_start3A_64] : memref<16384x64xf32, #tpu.memory_space<hbm>> -> memref<256x64xf32, #tpu.memory_space<hbm>>
      tpu.enqueue_dma source(%arg6 : memref<256x64xf32, #tpu.memory_space<vmem>>) target(%dma_start3A_65 : memref<256x64xf32, #tpu.memory_space<hbm>>) target_semaphore(%run_scoped3A : memref<!tpu.dma_semaphore, #tpu.memory_space<semaphore_mem>>)
      %dma_wait3A_66 = arith.constant 0 : i32
      %dma_wait3A_67 = tpu.memref_slice %arg4[%add3A_62, %dma_wait3A_66] : memref<16384x64xf32, #tpu.memory_space<hbm>> -> memref<256x64xf32, #tpu.memory_space<hbm>>
      %dma_wait3A_68 = arith.constant 0 : i32
      %dma_wait3A_69 = tpu.memref_slice %arg4[%add3A_62, %dma_wait3A_68] : memref<16384x64xf32, #tpu.memory_space<hbm>> -> memref<256x64xf32, #tpu.memory_space<hbm>>
      tpu.wait_dma2 semaphore(%run_scoped3A : memref<!tpu.dma_semaphore, #tpu.memory_space<semaphore_mem>>) src(%arg6 : memref<256x64xf32, #tpu.memory_space<vmem>>) dst(%dma_wait3A_69 : memref<256x64xf32, #tpu.memory_space<hbm>>)
      tpu.yield
    }) : () -> ()
    return
  }
}

module attributes {stable_mosaic.version = 14 : i64} {
  func.func @_mlp_body(%arg0: i32, %arg1: memref<2048x64xf32, #tpu.memory_space<vmem>>, %arg2: memref<2048x64xf32, #tpu.memory_space<vmem>>, %arg3: memref<64x64xf32, #tpu.memory_space<vmem>>, %arg4: memref<64x64xf32, #tpu.memory_space<vmem>>, %arg5: memref<1x64xf32, #tpu.memory_space<vmem>>, %arg6: memref<1x64xf32, #tpu.memory_space<vmem>>, %arg7: memref<1x1xf32, #tpu.memory_space<vmem>>, %arg8: memref<2048x1xf32, #tpu.memory_space<vmem>>) attributes {dimension_semantics = [#tpu.dimension_semantics<arbitrary>], iteration_bounds = array<i64: 8>, scalar_prefetch = 0 : i64, scratch_operands = 0 : i64, tpu.core_type = #tpu.core_type<tc>, window_params = [{transform_indices = @transform_0, window_bounds = array<i64: 2048, 64>}, {transform_indices = @transform_1, window_bounds = array<i64: 2048, 64>}, {pipeline_mode = #tpu.pipeline_mode<synchronous>, transform_indices = @transform_2, window_bounds = array<i64: 64, 64>}, {pipeline_mode = #tpu.pipeline_mode<synchronous>, transform_indices = @transform_3, window_bounds = array<i64: 64, 64>}, {pipeline_mode = #tpu.pipeline_mode<synchronous>, transform_indices = @transform_4, window_bounds = array<i64: 1, 64>}, {pipeline_mode = #tpu.pipeline_mode<synchronous>, transform_indices = @transform_5, window_bounds = array<i64: 1, 64>}, {pipeline_mode = #tpu.pipeline_mode<synchronous>, transform_indices = @transform_6, window_bounds = array<i64: 1, 1>}, {transform_indices = @transform_7, window_bounds = array<i64: 2048, 1>}]} {
    %get3A = arith.constant 0 : index
    %get3A_0 = arith.constant 0 : index
    %get3A_1 = vector.load %arg1[%get3A, %get3A_0] : memref<2048x64xf32, #tpu.memory_space<vmem>>, vector<2048x64xf32>
    %get3A_2 = arith.constant 0 : index
    %get3A_3 = arith.constant 0 : index
    %get3A_4 = vector.load %arg3[%get3A_2, %get3A_3] : memref<64x64xf32, #tpu.memory_space<vmem>>, vector<64x64xf32>
    %dot_general3A = arith.constant dense<0.000000e+00> : vector<2048x64xf32>
    %dot_general3A_5 = tpu.matmul %get3A_1, %get3A_4, %dot_general3A {dimension_numbers = #tpu.dot_dimension_numbers<[1], [0], [0], [1], [0, 0, 1, 1], [], []>, transpose_lhs_hint = false} : vector<2048x64xf32>, vector<64x64xf32>, vector<2048x64xf32> -> vector<2048x64xf32>
    %get3A_6 = arith.constant 0 : index
    %get3A_7 = arith.constant 0 : index
    %get3A_8 = vector.load %arg2[%get3A_6, %get3A_7] : memref<2048x64xf32, #tpu.memory_space<vmem>>, vector<2048x64xf32>
    %get3A_9 = arith.constant 0 : index
    %get3A_10 = arith.constant 0 : index
    %get3A_11 = vector.load %arg4[%get3A_9, %get3A_10] : memref<64x64xf32, #tpu.memory_space<vmem>>, vector<64x64xf32>
    %dot_general3A_12 = arith.constant dense<0.000000e+00> : vector<2048x64xf32>
    %dot_general3A_13 = tpu.matmul %get3A_8, %get3A_11, %dot_general3A_12 {dimension_numbers = #tpu.dot_dimension_numbers<[1], [0], [0], [1], [0, 0, 1, 1], [], []>, transpose_lhs_hint = false} : vector<2048x64xf32>, vector<64x64xf32>, vector<2048x64xf32> -> vector<2048x64xf32>
    %add3A = arith.addf %dot_general3A_5, %dot_general3A_13 : vector<2048x64xf32>
    %get3A_14 = arith.constant 0 : index
    %get3A_15 = arith.constant 0 : index
    %get3A_16 = vector.load %arg5[%get3A_14, %get3A_15] : memref<1x64xf32, #tpu.memory_space<vmem>>, vector<1x64xf32>
    %add3A_17 = vector.broadcast %get3A_16 : vector<1x64xf32> to vector<2048x64xf32>
    %add3A_18 = arith.addf %add3A, %add3A_17 : vector<2048x64xf32>
    %logistic3A = arith.negf %add3A_18 : vector<2048x64xf32>
    %logistic3A_19 = math.exp %logistic3A : vector<2048x64xf32>
    %logistic3A_20 = arith.constant 1.000000e+00 : f32
    %logistic3A_21 = vector.broadcast %logistic3A_20 : f32 to vector<2048x64xf32>
    %logistic3A_22 = arith.addf %logistic3A_21, %logistic3A_19 : vector<2048x64xf32>
    %logistic3A_23 = arith.divf %logistic3A_21, %logistic3A_22 : vector<2048x64xf32>
    %get3A_24 = arith.constant 0 : index
    %get3A_25 = arith.constant 0 : index
    %get3A_26 = vector.load %arg6[%get3A_24, %get3A_25] : memref<1x64xf32, #tpu.memory_space<vmem>>, vector<1x64xf32>
    %mul3A = vector.broadcast %get3A_26 : vector<1x64xf32> to vector<2048x64xf32>
    %mul3A_27 = arith.mulf %logistic3A_23, %mul3A : vector<2048x64xf32>
    %reduce_sum3A = arith.constant dense<0.000000e+00> : vector<2048xf32>
    %reduce_sum3A_28 = vector.multi_reduction <add>, %mul3A_27, %reduce_sum3A [1] : vector<2048x64xf32> to vector<2048xf32>
    %broadcast_in_dim3A = vector.shape_cast %reduce_sum3A_28 : vector<2048xf32> to vector<2048x1xf32>
    %get3A_29 = arith.constant 0 : index
    %get3A_30 = arith.constant 0 : index
    %get3A_31 = vector.load %arg7[%get3A_29, %get3A_30] : memref<1x1xf32, #tpu.memory_space<vmem>>, vector<1x1xf32>
    %add3A_32 = vector.broadcast %get3A_31 : vector<1x1xf32> to vector<2048x1xf32>
    %add3A_33 = arith.addf %broadcast_in_dim3A, %add3A_32 : vector<2048x1xf32>
    %swap3A = arith.constant 0 : index
    %swap3A_34 = arith.constant 0 : index
    %swap3A_35 = vector.load %arg8[%swap3A, %swap3A_34] : memref<2048x1xf32, #tpu.memory_space<vmem>>, vector<2048x1xf32>
    tpu.vector_store %arg8[%swap3A, %swap3A_34], %add3A_33 {strides = array<i32>} : memref<2048x1xf32, #tpu.memory_space<vmem>>, vector<2048x1xf32>,
    return
  }
  func.func @transform_0(%arg0: i32) -> (i32, i32) {
    %c0_i32 = arith.constant 0 : i32
    %c0_i32_0 = arith.constant 0 : i32
    return %arg0, %c0_i32 : i32, i32
  }
  func.func @transform_1(%arg0: i32) -> (i32, i32) {
    %c0_i32 = arith.constant 0 : i32
    %c0_i32_0 = arith.constant 0 : i32
    return %arg0, %c0_i32 : i32, i32
  }
  func.func @transform_2(%arg0: i32) -> (i32, i32) {
    %c0_i32 = arith.constant 0 : i32
    %c0_i32_0 = arith.constant 0 : i32
    %c0_i32_1 = arith.constant 0 : i32
    return %c0_i32, %c0_i32_0 : i32, i32
  }
  func.func @transform_3(%arg0: i32) -> (i32, i32) {
    %c0_i32 = arith.constant 0 : i32
    %c0_i32_0 = arith.constant 0 : i32
    %c0_i32_1 = arith.constant 0 : i32
    return %c0_i32, %c0_i32_0 : i32, i32
  }
  func.func @transform_4(%arg0: i32) -> (i32, i32) {
    %c0_i32 = arith.constant 0 : i32
    %c0_i32_0 = arith.constant 0 : i32
    %c0_i32_1 = arith.constant 0 : i32
    return %c0_i32, %c0_i32_0 : i32, i32
  }
  func.func @transform_5(%arg0: i32) -> (i32, i32) {
    %c0_i32 = arith.constant 0 : i32
    %c0_i32_0 = arith.constant 0 : i32
    %c0_i32_1 = arith.constant 0 : i32
    return %c0_i32, %c0_i32_0 : i32, i32
  }
  func.func @transform_6(%arg0: i32) -> (i32, i32) {
    %c0_i32 = arith.constant 0 : i32
    %c0_i32_0 = arith.constant 0 : i32
    %c0_i32_1 = arith.constant 0 : i32
    return %c0_i32, %c0_i32_0 : i32, i32
  }
  func.func @transform_7(%arg0: i32) -> (i32, i32) {
    %c0_i32 = arith.constant 0 : i32
    %c0_i32_0 = arith.constant 0 : i32
    return %arg0, %c0_i32 : i32, i32
  }
}

</mosaic_0001>

<sc_bundles>
// kernel: kernel.5.cloned.1.call-start
scs
__scs_entry_jumppad:
0x0: {  	(pc) =	sbr.rel $0x88, $3  }
0x1: {  	(tag) =	ssettag $0x0;
	lr =	simm.s32 $0x1  }
0x2: {  	[smem:$0x3F99] =	sst lr;
	_ =	strace $0xD0000000  }
0x3: {  	_ = 	snop  }
0x4: {  	_ = 	snop  }
0x5: {  	_ = 	snop  }
0x6: {  	_ = 	snop  }
0x7: {  	_ = 	snop  }
__scs_overlays_trampoline_lowered:
0x8: {  	[smem:$0x3FA8] =	sst s0  }
0x9: {  	[smem:$0x3FA9] =	sst s1  }
0xa: {  	[smem:$0x3FAA] =	sst s2  }
0xb: {  	[smem:$0x3FAB] =	sst s3  }
0xc: {  	[smem:$0x3FAC] =	sst s4  }
0xd: {  	[smem:$0x3FAD] =	sst s5  }
0xe: {  	[smem:$0x3FAE] =	sst s6  }
0xf: {  	[smem:$0x3FAF] =	sst s7  }
0x10: {  	[smem:$0x3FB0] =	sst s8  }
0x11: {  	[smem:$0x3FB1] =	sst s9;
	s0 =	simm.s32 @!p0 $0x0  }
0x12: {  	s1 =	sld [smem:$0x3F97];
	s0 =	simm.s32 @p0 $0x1  }
0x13: {  	[smem:$0x3FB2] =	sst s0;
	s0 =	simm.s32 @!p1 $0x0  }
0x14: {  	s2 =	sld [smem:$0x3F96];
	s0 =	simm.s32 @p1 $0x1  }
0x15: {  	[smem:$0x3FB3] =	sst s0;
	s0 =	simm.s32 @!p2 $0x0  }
0x16: {  	s3 =	sld [smem:$0x3FDB];
	s0 =	simm.s32 @p2 $0x1  }
0x17: {  	s4 =	simm.s32 $0x1BF5;
	[smem:$0x3FB5] =	sst s0  }
0x18: {  	s0 =	sld [smem:$0x3F98];
	_ =	swait.ge [sflag:s4], $0x0  }
0x19: {  	s7 =	sld [smem:$0x3F99]  }
0x1a: {  	s8 =	sadd.s32 $0xFFFFE003, lr  }
0x1b: {  	s9 =	sadd.s32 $0xFFFFFEF7, lr;
	s5 =	simm.s32 $0xFFFFFFFF;
	p2 =	slt.u32 s8, $0xFFFFF086  }
0x1c: {  	p1 =	slt.u32 s9, $0xF7A;
	s5 =	simm.s32 @!p2 $0x0  }
0x1d: {  	s5 =	simm.s32 @p1 $0x1;
	p0 =	seq.s32 s7, s2  }
0x1e: {  	s7 =	smul.u32 @!p0 $0xF7A, s2;
	p2 =	seq.s32 @!p0 s5, $0x0  }
0x1f: {  	s9 =	smul.u32 $0xF7A, s1;
	s8 =	simm.s32 @!p0 $0x1BF5;
	p2 =	por !p2, p0  }
0x20: {  	[sflag:s8] =	ssyncset.s32 @!p0 $0xFFFFF086;
	s6 =	sadd.s32 @!p0 s3, s7;
	s7 =	simm.s32 @!p0 $0x108  }
0x21: {  	s3 =	sadd.s32 s3, s9;
	s6 =	sadd.s32 @!p0 $0x88, s6;
	s7 =	simm.s32 @p2 $0x1082  }
0x22: {  	[simem:s7], [sflag:s8] =	dma.local @!p0 [hbm:s6], $0xF7A  }
0x23: {  	s9 =	sor.u32 $0xD0000000, s2;
	s6 =	simm.s32 $0x108;
	_ =	swait.ge @!p0 [sflag:s8], $0x0  }
0x24: {  	s3 =	sadd.s32 $0x88, s3;
	s6 =	simm.s32 @!p1 $0x1082;
	[sflag:s4] =	ssyncset.s32 $0xFFFFF086  }
0x25: {  	[simem:s6], [sflag:s4] =	dma.local [hbm:s3], $0xF7A  }
0x26: {  	[smem:$0x3F99] =	sst s1;
	(tag) =	ssettag s2;
	_ =	strace s9  }
0x27: {  	s1 =	sld [smem:$0x3FA9]  }
0x28: {  	s2 =	sld [smem:$0x3FAA]  }
0x29: {  	s4 =	sld [smem:$0x3FAC]  }
0x2a: {  	p0 =	seq.s32 s5, $0x0;
	s5 =	sld [smem:$0x3FAD]  }
0x2b: {  	s6 =	sld [smem:$0x3FAE]  }
0x2c: {  	s7 =	sld [smem:$0x3FAF]  }
0x2d: {  	s3 =	simm.s32 $0x108;
	s8 =	sld [smem:$0x3FB0]  }
0x2e: {  	s3 =	simm.s32 @!p0 $0x1082;
	s9 =	sld [smem:$0x3FB1]  }
0x2f: {  	lr =	sadd.s32 s0, s3;
	s0 =	sld [smem:$0x3FA8]  }
0x30: {  	s3 =	sld [smem:$0x3FAB]  }
0x31: {  	[smem:$0x3FB4] =	sst s10  }
0x32: {  	s10 =	sld [smem:$0x3FB2];
	_ =	sdelay $0x3  }
0x33: {  	p0 =	seq.s32 s10, $0x1;
	s10 =	sld [smem:$0x3FB4];
	_ =	sdelay $0x3  }
0x34: {  	[smem:$0x3FB4] =	sst s10  }
0x35: {  	s10 =	sld [smem:$0x3FB3];
	_ =	sdelay $0x3  }
0x36: {  	p1 =	seq.s32 s10, $0x1;
	s10 =	sld [smem:$0x3FB4];
	_ =	sdelay $0x3  }
0x37: {  	[smem:$0x3FB4] =	sst s10  }
0x38: {  	s10 =	sld [smem:$0x3FB5]  }
0x39: {  	_ = 	snop;
	(pc) =	sbr.ind lr, $3  }
0x3a: {  	_ = 	snop  }
0x3b: {  	_ = 	snop  }
0x3c: {  	p2 =	seq.s32 s10, $0x1;
	s10 =	sld [smem:$0x3FB4]  }
0x3d: {  	_ =	shalt  }
0x3e: {  	_ =	shalt  }
0x3f: {  	_ =	shalt  }
0x40: {  	_ =	shalt  }
0x41: {  	_ =	shalt  }
0x42: {  	_ =	shalt  }
0x43: {  	_ =	shalt  }
0x44: {  	_ =	shalt  }
0x45: {  	_ =	shalt  }
0x46: {  	_ =	shalt  }
0x47: {  	_ =	shalt  }
0x48: {  	_ =	shalt  }
0x49: {  	_ =	shalt  }
0x4a: {  	_ =	shalt  }
0x4b: {  	_ =	shalt  }
0x4c: {  	_ =	shalt  }
0x4d: {  	_ =	shalt  }
0x4e: {  	_ =	shalt  }
0x4f: {  	_ =	shalt  }
0x50: {  	_ =	shalt  }
0x51: {  	_ =	shalt  }
0x52: {  	_ =	shalt  }
0x53: {  	_ =	shalt  }
0x54: {  	_ =	shalt  }
0x55: {  	_ =	shalt  }
0x56: {  	_ =	shalt  }
0x57: {  	_ =	shalt  }
0x58: {  	_ =	shalt  }
0x59: {  	_ =	shalt  }
0x5a: {  	_ =	shalt  }
0x5b: {  	_ =	shalt  }
0x5c: {  	_ =	shalt  }
0x5d: {  	_ =	shalt  }
0x5e: {  	_ =	shalt  }
0x5f: {  	_ =	shalt  }
0x60: {  	_ =	shalt  }
0x61: {  	_ =	shalt  }
0x62: {  	_ =	shalt  }
0x63: {  	_ =	shalt  }
0x64: {  	_ =	shalt  }
0x65: {  	_ =	shalt  }
0x66: {  	_ =	shalt  }
0x67: {  	_ =	shalt  }
0x68: {  	_ =	shalt  }
0x69: {  	_ =	shalt  }
0x6a: {  	_ =	shalt  }
0x6b: {  	_ =	shalt  }
0x6c: {  	_ =	shalt  }
0x6d: {  	_ =	shalt  }
0x6e: {  	_ =	shalt  }
0x6f: {  	_ =	shalt  }
0x70: {  	_ =	shalt  }
0x71: {  	_ =	shalt  }
0x72: {  	_ =	shalt  }
0x73: {  	_ =	shalt  }
0x74: {  	_ =	shalt  }
0x75: {  	_ =	shalt  }
0x76: {  	_ =	shalt  }
0x77: {  	_ =	shalt  }
0x78: {  	_ =	shalt  }
0x79: {  	_ =	shalt  }
0x7a: {  	_ =	shalt  }
0x7b: {  	_ =	shalt  }
0x7c: {  	_ =	shalt  }
0x7d: {  	_ =	shalt  }
0x7e: {  	_ =	shalt  }
0x7f: {  	_ =	shalt  }
0x80: {  	_ =	shalt  }
0x81: {  	_ =	shalt  }
0x82: {  	_ =	shalt  }
0x83: {  	_ =	shalt  }
0x84: {  	_ =	shalt  }
0x85: {  	_ =	shalt  }
0x86: {  	_ =	shalt  }
0x87: {  	_ =	shalt  }
.Lfunc_end0:
.L_simem_size_0:
called_computation_lowered:
.L_overlay_start_0:
0x88: {  	s2 =	sld [smem:$0x3FD9]  }
0x89: {  	s3 =	sld [smem:$0x3FFE];
	_ =	sdelay $0x1  }
0x8a: {  	s1 =	srdreg.scid  }
0x8b: {  	s0 =	sand.u32 $0x1, s1  }
0x8c: {  	s17 =	sshll.u32 s0, $0xA;
	s2 =	sadd.s32 s3, s2  }
0x8d: {  	s2 =	sadd.s32 s2, s17  }
0x8e: {  	[smem:$0x3FC0] =	sst s2  }
0x8f: {  	_ = 	snop  }
0x90: {  	s2 =	sld [smem:$0x3FC8];
	(tm) =	ssettm $0x1  }
0x91: {  	s18 =	sld [smem:$0x3FFB];
	_ =	sdelay $0x3  }
0x92: {  	_ =	strace s18  }
0x93: {  	s3 =	sld [smem:$0x3FFC];
	_ =	sdelay $0x3  }
0x94: {  	_ =	strace s3  }
0x95: {  	s3 =	sld [smem:$0x3FFD];
	_ =	sdelay $0x3  }
0x96: {  	_ =	strace s3  }
0x97: {  	_ =	strace $0x8FFFFFFF  }
0x98: {  	s19 =	sld [smem:$0x3FDB];
	_ =	sdelay $0x1  }
0x99: {  	s4 =	simm.s32 $_scs_section_size  }
0x9a: {  	s5 =	simm.s32 $_size__tile_overlayer_lowered;
	s6 =	simm.s32 $_tile_overlayer_lowered  }
0x9b: {  	s22 =	simm.s32 $0x1BFF;
	s21 =	sshll.u32 s6, $0x1;
	s3 =	sadd.s32 s4, s19  }
0x9c: {  	s7 =	simm.s32 $0x0;
	s20 =	sshll.u32 s5, $0x1;
	s5 =	sadd.s32 s21, s3  }
0x9d: {  	[timem:s7], [sflag:s22] =	dma.local [hbm:s5], s20  }
0x9e: {  	_ =	swait.ge [sflag:s22], s20  }
0x9f: {  	s4 =	ssub.s32 $0x0, s20;
	[sflag:s22] =	ssyncset.done $0x0  }
0xa0: {  	[sflag:s22] =	ssyncadd.s32 s4;
	_ =	sdelay $0x1  }
0xa1: {  	s23 =	simm.s32 $0x1B8B  }
0xa2: {  	_ =	swait.ge [sflag:s23], $0x1  }
0xa3: {  	[sflag:s23] =	ssyncset.done $0x0  }
0xa4: {  	s25 =	simm.s32 $0x1B8E;
	s24 =	sld [smem:$0x3FFE];
	[sflag:s23] =	ssyncadd.s32 $0xFFFFFFFF  }
0xa5: {  	s26 =	simm.s32 $execute0_lowered;
	[smem:$0x3FD2] =	sst s25  }
0xa6: {  	s5 =	sshll.u32 s26, $0x1;
	_ =	strace $0x80000046;
	[dreg:$0x1] =	wrdreg $0xFFFFFFFF  }
0xa7: {  	s28 =	simm.s32 $_size_execute0_lowered;
	s3 =	sadd.s32 s3, s5;
	[dreg:$0x0] =	wrdreg $0x0  }
0xa8: {  	s5 =	sshll.u32 s28, $0x1;
	[dreg:$0x2] =	wrdreg s3  }
0xa9: {  	[dreg:$0x3] =	wrdreg s5  }
0xaa: {  	[dreg:$0x4] =	wrdreg $0xC0  }
0xab: {  	_ =	task [dreg:s7], $0x5FFFF  }
0xac: {  	[dreg:$0x1] =	wrdreg $0xFFFFFFFF  }
0xad: {  	[dreg:$0x0] =	wrdreg $0x60  }
0xae: {  	[dreg:$0x2] =	wrdreg s2  }
0xaf: {  	[dreg:$0x3] =	wrdreg s24  }
0xb0: {  	[dreg:$0x4] =	wrdreg $0x9  }
0xb1: {  	_ =	task.clear_ibuf [dreg:s7], $0x5FFFF;
	_ =	strace $0x90000046  }
0xb2: {  	s29 =	simm.s32 $0x9;
	_ =	strace $0x80000048  }
0xb3: {  	_ =	swait.ge [sflag:s29], $0x1  }
0xb4: {  	[sflag:s29] =	ssyncadd.s32 $0xFFFFFFFF  }
0xb5: {  	_ =	strace $0x90000048  }
0xb6: {  	_ =	sfence  }
0xb7: {  	s30 =	sld [smem:$0x0];
	_ =	sdelay $0x2  }
0xb8: {  	s31 =	sshll.u32 s1, $0xD;
	s1 =	sshrl.u32 s1, $0x2  }
0xb9: {  	s3 =	sand.u32 $0x4000, s31;
	s1 =	sadd.s32 s1, s30  }
0xba: {  	s0 =	sor.u32 s3, s0;
	s1 =	sshll.u32 s1, $0x11  }
0xbb: {  	s0 =	sor.u32 s1, s0  }
0xbc: {  	s0 =	sadd.s32 $0x8F2B, s0  }
0xbd: {  	[sflag:s0] =	ssyncadd.remote.s32 $0x1  }
0xbe: {  	_ =	sfence.sel $0xFFFF  }
0xbf: {  	[dreg:$0x0] =	wrdreg $0xFFFFFFFF;
	(pc) =	sbr.abs _section_cstart, $3  }
0xc0: {  	[dreg:$0x1] =	wrdreg $0xFFFFFFFF  }
0xc1: {  	_ =	task.clear_ibuf [dreg:s7], $0x2FFFF;
	_ =	strace $0x9FFFFFFF  }
0xc2: {  	(tm) =	ssettm $0x7FFFFFFF  }
0xc3: {  	_ =	shalt  }
tec
execute0_lowered:
.L_overlay_start_1:
0x0: {  	(tag) =	ssettag $0x1  }
0x1: {  	s1 =	srdreg.scid  }
0x2: {  	s3 =	rddreg [dreg:$0x0];
	s0 =	stileid.u32;
	s13 =	sand.u32 $0x1, s1  }
0x3: {  	s9 =	rddreg [dreg:$0x1];
	s4 =	sshll.u32 s0, $0xA;
	s5 =	sshll.u32 s13, $0x9  }
0x4: {  	s2 =	simm.s32 $0x0;
	s1 =	rddreg [dreg:$0x2];
	s10 =	sor.u32 s5, s4  }
0x5: {  	[smem:$0x7FF] =	sst s2;
	s4 =	sshrl.u32 s10, $0x3  }
0x6: {  	_ =	strace $0x80000047;
	s4 =	sadd.s32 s3, s4;
	s3 =	simm.s32 $0x2  }
0x7: {  	[tilespmem:s2], [sflag:$0x2] =	stream.linear.gather [hbm4b:s4+s2], $0x200, $0x38;
	[tilespmem:$0x2200] =	vst v63  }
0x8: {  	_ =	swait.ge [sflag:s3], $0x200  }
0x9: {  	s6 =	simm.s32 $0x80;
	s7 =	simm.s32 $0x200;
	[sflag:s3] =	ssyncset.done $0x0  }
0xa: {  	s8 =	simm.s32 $0x1;
	s5 =	sadd.s32 $0xF43600, s9;
	[sflag:s3] =	ssyncadd.s32 $0xFFFFFE00  }
0xb: {  	[tilespmem:s7], [sflag:$0x1] =	stream.indirect.gather [hbm4b:s5+s6], $0x40, s2, s6, $0xb8;
	[tilespmem:$0x2200] =	vst v63  }
0xc: {  	s10 =	sshll.u32 s10, $0x3;
	_ =	swait.ge [sflag:s8], $0x2000  }
0xd: {  	s14 =	sadd.s32 s10, s9;
	[sflag:s8] =	ssyncset.done $0x0  }
0xe: {  	s9 =	sadd.s32 $0x1200, s14;
	[sflag:s8] =	ssyncadd.s32 $0xFFFFE000  }
0xf: {  	[hbm4b:s9+s2] =	stream.linear.scatter [tilespmem:s7], [sflag:$0x2], $0x2000, $0x38;
	[tilespmem:$0x2200] =	vst v63  }
0x10: {  	_ =	swait.ge [sflag:s3], $0x2000  }
0x11: {  	[sflag:s3] =	ssyncset.done $0x0  }
0x12: {  	[sflag:s3] =	ssyncadd.s32 $0xFFFFE000  }
0x13: {  	[tilespmem:s7], [sflag:$0x1] =	stream.indirect.gather [hbm4b:s5+s6], $0x40, s6, s6, $0xb8;
	[tilespmem:$0x2200] =	vst v63  }
0x14: {  	_ =	swait.ge [sflag:s8], $0x2000  }
0x15: {  	[sflag:s8] =	ssyncset.done $0x0  }
0x16: {  	s10 =	sadd.s32 $0x1600, s14;
	[sflag:s8] =	ssyncadd.s32 $0xFFFFE000  }
0x17: {  	[hbm4b:s10+s2] =	stream.linear.scatter [tilespmem:s7], [sflag:$0x2], $0x2000, $0x38;
	[tilespmem:$0x2200] =	vst v63  }
0x18: {  	_ =	swait.ge [sflag:s3], $0x2000  }
0x19: {  	[sflag:s3] =	ssyncset.done $0x0  }
0x1a: {  	s11 =	simm.s32 $0x100;
	[sflag:s3] =	ssyncadd.s32 $0xFFFFE000  }
0x1b: {  	[tilespmem:s7], [sflag:$0x1] =	stream.indirect.gather [hbm4b:s5+s6], $0x40, s11, s6, $0xb8;
	[tilespmem:$0x2200] =	vst v63  }
0x1c: {  	_ =	swait.ge [sflag:s8], $0x2000  }
0x1d: {  	[sflag:s8] =	ssyncset.done $0x0  }
0x1e: {  	s15 =	ssub.s32 $0x2, s13;
	s12 =	sadd.s32 $0x1A00, s14;
	[sflag:s8] =	ssyncadd.s32 $0xFFFFE000  }
0x1f: {  	[hbm4b:s12+s2] =	stream.linear.scatter [tilespmem:s7], [sflag:$0x2], $0x2000, $0x38;
	[tilespmem:$0x2200] =	vst v63  }
0x20: {  	s16 =	sshrl.u32 s15, $0x1;
	_ =	swait.ge [sflag:s3], $0x2000  }
0x21: {  	s15 =	ssub.s32 s15, s16;
	[sflag:s3] =	ssyncset.done $0x0  }
0x22: {  	s13 =	simm.s32 $0x180;
	s15 =	smax.u32 s15, $0x1;
	[sflag:s3] =	ssyncadd.s32 $0xFFFFE000  }
0x23: {  	[tilespmem:s7], [sflag:$0x1] =	stream.indirect.gather [hbm4b:s5+s6], $0x40, s13, s6, $0xb8;
	[tilespmem:$0x2200] =	vst v63  }
0x24: {  	p0 =	sne.s32 s15, $0x1;
	_ =	swait.ge [sflag:s8], $0x2000  }
.Ltmp0:
0x25: {  	[sflag:s8] =	ssyncset.done $0x0;
	(pc) =	sbr.rel @!p0 .LBB2_2-.Ltmp0, $4  }
0x26: {  	s14 =	sadd.s32 $0x1E00, s14;
	[sflag:s8] =	ssyncadd.s32 $0xFFFFE000  }
0x27: {  	[hbm4b:s14+s2] =	stream.linear.scatter [tilespmem:s7], [sflag:$0x2], $0x2000, $0x38;
	[tilespmem:$0x2200] =	vst v63  }
0x28: {  	_ =	swait.ge [sflag:s3], $0x2000  }
0x29: {  	s15 =	sadd.s32 $0xFFFFFFFF, s15;
	[sflag:s3] =	ssyncset.done $0x0  }
.LBB2_1:
0x2a: {  	p0 =	sne.s32 s15, $0x1;
	s15 =	sadd.s32 $0xFFFFFFFF, s15;
	[sflag:s3] =	ssyncadd.s32 $0xFFFFE000  }
0x2b: {  	[tilespmem:s2], [sflag:$0x2] =	stream.linear.gather [hbm4b:s4+s2], $0x200, $0x38;
	[tilespmem:$0x2200] =	vst v63  }
0x2c: {  	_ =	swait.ge [sflag:s3], $0x200  }
0x2d: {  	[sflag:s3] =	ssyncset.done $0x0  }
0x2e: {  	[sflag:s3] =	ssyncadd.s32 $0xFFFFFE00  }
0x2f: {  	[tilespmem:s7], [sflag:$0x1] =	stream.indirect.gather [hbm4b:s5+s6], $0x40, s2, s6, $0xb8;
	[tilespmem:$0x2200] =	vst v63  }
0x30: {  	_ =	swait.ge [sflag:s8], $0x2000  }
0x31: {  	[sflag:s8] =	ssyncset.done $0x0  }
0x32: {  	[sflag:s8] =	ssyncadd.s32 $0xFFFFE000  }
0x33: {  	[hbm4b:s9+s2] =	stream.linear.scatter [tilespmem:s7], [sflag:$0x2], $0x2000, $0x38;
	[tilespmem:$0x2200] =	vst v63  }
0x34: {  	_ =	swait.ge [sflag:s3], $0x2000  }
0x35: {  	[sflag:s3] =	ssyncset.done $0x0  }
0x36: {  	[sflag:s3] =	ssyncadd.s32 $0xFFFFE000  }
0x37: {  	[tilespmem:s7], [sflag:$0x1] =	stream.indirect.gather [hbm4b:s5+s6], $0x40, s6, s6, $0xb8;
	[tilespmem:$0x2200] =	vst v63  }
0x38: {  	_ =	swait.ge [sflag:s8], $0x2000  }
0x39: {  	[sflag:s8] =	ssyncset.done $0x0  }
0x3a: {  	[sflag:s8] =	ssyncadd.s32 $0xFFFFE000  }
0x3b: {  	[hbm4b:s10+s2] =	stream.linear.scatter [tilespmem:s7], [sflag:$0x2], $0x2000, $0x38;
	[tilespmem:$0x2200] =	vst v63  }
0x3c: {  	_ =	swait.ge [sflag:s3], $0x2000  }
0x3d: {  	[sflag:s3] =	ssyncset.done $0x0  }
0x3e: {  	[sflag:s3] =	ssyncadd.s32 $0xFFFFE000  }
0x3f: {  	[tilespmem:s7], [sflag:$0x1] =	stream.indirect.gather [hbm4b:s5+s6], $0x40, s11, s6, $0xb8;
	[tilespmem:$0x2200] =	vst v63  }
0x40: {  	_ =	swait.ge [sflag:s8], $0x2000  }
0x41: {  	[sflag:s8] =	ssyncset.done $0x0  }
0x42: {  	[sflag:s8] =	ssyncadd.s32 $0xFFFFE000  }
0x43: {  	[hbm4b:s12+s2] =	stream.linear.scatter [tilespmem:s7], [sflag:$0x2], $0x2000, $0x38;
	[tilespmem:$0x2200] =	vst v63  }
0x44: {  	_ =	swait.ge [sflag:s3], $0x2000  }
0x45: {  	[sflag:s3] =	ssyncset.done $0x0  }
0x46: {  	[sflag:s3] =	ssyncadd.s32 $0xFFFFE000  }
0x47: {  	[tilespmem:s7], [sflag:$0x1] =	stream.indirect.gather [hbm4b:s5+s6], $0x40, s13, s6, $0xb8;
	[tilespmem:$0x2200] =	vst v63  }
0x48: {  	_ =	swait.ge [sflag:s8], $0x2000  }
.Ltmp1:
0x49: {  	[sflag:s8] =	ssyncset.done $0x0;
	(pc) =	sbr.rel @p0 .LBB2_1-.Ltmp1, $4  }
0x4a: {  	[sflag:s8] =	ssyncadd.s32 $0xFFFFE000  }
0x4b: {  	[hbm4b:s14+s2] =	stream.linear.scatter [tilespmem:s7], [sflag:$0x2], $0x2000, $0x38;
	[tilespmem:$0x2200] =	vst v63  }
0x4c: {  	_ =	swait.ge [sflag:s3], $0x2000  }
0x4d: {  	[sflag:s3] =	ssyncset.done $0x0  }
.LBB2_2:
0x4e: {  	[sflag:s3] =	ssyncadd.s32 $0xFFFFE000  }
0x4f: {  	_ =	sfence.sel $0x180000  }
0x50: {  	[bflag:$0x0] =	sbarrier.arrive $0xFFFF  }
0x51: {  	p0 =	sne.s32 s0, $0x0;
	_ =	strace $0x90000047  }
0x52: {  	s0 =	sadd.s32 @!p0 $0x100000, s1;
	[bflag:$0x2] =	sbarrier.arrive $0xFFFF  }
0x53: {  	[sflag:s0] =	ssyncadd.tile.s32 @!p0 $0x1;
	_ =	shalt  }
.Lfunc_end2:
_tile_overlayer_lowered:
.L_overlay_start_2:
0x54: {  	(tag) =	ssettag $0x2  }
0x55: {  	s0 =	rddreg [dreg:$0x0];
	s2 =	stileid.u32  }
0x56: {  	s1 =	rddreg [dreg:$0x1];
	p0 =	sne.s32 s2, $0x0  }
0x57: {  	s3 =	rddreg [dreg:$0x2];
	[bflag:$0x3] =	sbarrier.arrive $0xFFFF;
	s2 =	simm.s32 @!p0 $0x1C02  }
0x58: {  	[timem:s3], [sflag:s2] =	dma.local @!p0 [hbm:s0], s1  }
0x59: {  	s0 =	simm.s32 @!p0 $0x2  }
0x5a: {  	_ =	swait.ge @!p0 [sflag:s0], s1  }
0x5b: {  	s1 =	ssub.s32 @!p0 $0x0, s1;
	[sflag:s0] =	ssyncset.done @!p0 $0x0  }
0x5c: {  	[sflag:s0] =	ssyncadd.s32 @!p0 s1  }
0x5d: {  	[bflag:$0x3] =	sbarrier.arrive $0xFFFF  }
0x5e: {  	_ =	shalt  }

// kernel: kernel.8.cloned.1.call-start
scs
__scs_entry_jumppad:
0x0: {  	(pc) =	sbr.rel $0x88, $3  }
0x1: {  	(tag) =	ssettag $0x0;
	lr =	simm.s32 $0x1  }
0x2: {  	[smem:$0x3F99] =	sst lr;
	_ =	strace $0xD0000000  }
0x3: {  	_ = 	snop  }
0x4: {  	_ = 	snop  }
0x5: {  	_ = 	snop  }
0x6: {  	_ = 	snop  }
0x7: {  	_ = 	snop  }
__scs_overlays_trampoline_lowered:
0x8: {  	[smem:$0x3FA8] =	sst s0  }
0x9: {  	[smem:$0x3FA9] =	sst s1  }
0xa: {  	[smem:$0x3FAA] =	sst s2  }
0xb: {  	[smem:$0x3FAB] =	sst s3  }
0xc: {  	[smem:$0x3FAC] =	sst s4  }
0xd: {  	[smem:$0x3FAD] =	sst s5  }
0xe: {  	[smem:$0x3FAE] =	sst s6  }
0xf: {  	[smem:$0x3FAF] =	sst s7  }
0x10: {  	[smem:$0x3FB0] =	sst s8  }
0x11: {  	[smem:$0x3FB1] =	sst s9;
	s0 =	simm.s32 @!p0 $0x0  }
0x12: {  	s1 =	sld [smem:$0x3F97];
	s0 =	simm.s32 @p0 $0x1  }
0x13: {  	[smem:$0x3FB2] =	sst s0;
	s0 =	simm.s32 @!p1 $0x0  }
0x14: {  	s2 =	sld [smem:$0x3F96];
	s0 =	simm.s32 @p1 $0x1  }
0x15: {  	[smem:$0x3FB3] =	sst s0;
	s0 =	simm.s32 @!p2 $0x0  }
0x16: {  	s3 =	sld [smem:$0x3FDB];
	s0 =	simm.s32 @p2 $0x1  }
0x17: {  	s4 =	simm.s32 $0x1BF5;
	[smem:$0x3FB5] =	sst s0  }
0x18: {  	s0 =	sld [smem:$0x3F98];
	_ =	swait.ge [sflag:s4], $0x0  }
0x19: {  	s7 =	sld [smem:$0x3F99]  }
0x1a: {  	s8 =	sadd.s32 $0xFFFFE003, lr  }
0x1b: {  	s9 =	sadd.s32 $0xFFFFFEF7, lr;
	s5 =	simm.s32 $0xFFFFFFFF;
	p2 =	slt.u32 s8, $0xFFFFF086  }
0x1c: {  	p1 =	slt.u32 s9, $0xF7A;
	s5 =	simm.s32 @!p2 $0x0  }
0x1d: {  	s5 =	simm.s32 @p1 $0x1;
	p0 =	seq.s32 s7, s2  }
0x1e: {  	s7 =	smul.u32 @!p0 $0xF7A, s2;
	p2 =	seq.s32 @!p0 s5, $0x0  }
0x1f: {  	s9 =	smul.u32 $0xF7A, s1;
	s8 =	simm.s32 @!p0 $0x1BF5;
	p2 =	por !p2, p0  }
0x20: {  	[sflag:s8] =	ssyncset.s32 @!p0 $0xFFFFF086;
	s6 =	sadd.s32 @!p0 s3, s7;
	s7 =	simm.s32 @!p0 $0x108  }
0x21: {  	s3 =	sadd.s32 s3, s9;
	s6 =	sadd.s32 @!p0 $0x88, s6;
	s7 =	simm.s32 @p2 $0x1082  }
0x22: {  	[simem:s7], [sflag:s8] =	dma.local @!p0 [hbm:s6], $0xF7A  }
0x23: {  	s9 =	sor.u32 $0xD0000000, s2;
	s6 =	simm.s32 $0x108;
	_ =	swait.ge @!p0 [sflag:s8], $0x0  }
0x24: {  	s3 =	sadd.s32 $0x88, s3;
	s6 =	simm.s32 @!p1 $0x1082;
	[sflag:s4] =	ssyncset.s32 $0xFFFFF086  }
0x25: {  	[simem:s6], [sflag:s4] =	dma.local [hbm:s3], $0xF7A  }
0x26: {  	[smem:$0x3F99] =	sst s1;
	(tag) =	ssettag s2;
	_ =	strace s9  }
0x27: {  	s1 =	sld [smem:$0x3FA9]  }
0x28: {  	s2 =	sld [smem:$0x3FAA]  }
0x29: {  	s4 =	sld [smem:$0x3FAC]  }
0x2a: {  	p0 =	seq.s32 s5, $0x0;
	s5 =	sld [smem:$0x3FAD]  }
0x2b: {  	s6 =	sld [smem:$0x3FAE]  }
0x2c: {  	s7 =	sld [smem:$0x3FAF]  }
0x2d: {  	s3 =	simm.s32 $0x108;
	s8 =	sld [smem:$0x3FB0]  }
0x2e: {  	s3 =	simm.s32 @!p0 $0x1082;
	s9 =	sld [smem:$0x3FB1]  }
0x2f: {  	lr =	sadd.s32 s0, s3;
	s0 =	sld [smem:$0x3FA8]  }
0x30: {  	s3 =	sld [smem:$0x3FAB]  }
0x31: {  	[smem:$0x3FB4] =	sst s10  }
0x32: {  	s10 =	sld [smem:$0x3FB2];
	_ =	sdelay $0x3  }
0x33: {  	p0 =	seq.s32 s10, $0x1;
	s10 =	sld [smem:$0x3FB4];
	_ =	sdelay $0x3  }
0x34: {  	[smem:$0x3FB4] =	sst s10  }
0x35: {  	s10 =	sld [smem:$0x3FB3];
	_ =	sdelay $0x3  }
0x36: {  	p1 =	seq.s32 s10, $0x1;
	s10 =	sld [smem:$0x3FB4];
	_ =	sdelay $0x3  }
0x37: {  	[smem:$0x3FB4] =	sst s10  }
0x38: {  	s10 =	sld [smem:$0x3FB5]  }
0x39: {  	_ = 	snop;
	(pc) =	sbr.ind lr, $3  }
0x3a: {  	_ = 	snop  }
0x3b: {  	_ = 	snop  }
0x3c: {  	p2 =	seq.s32 s10, $0x1;
	s10 =	sld [smem:$0x3FB4]  }
0x3d: {  	_ =	shalt  }
0x3e: {  	_ =	shalt  }
0x3f: {  	_ =	shalt  }
0x40: {  	_ =	shalt  }
0x41: {  	_ =	shalt  }
0x42: {  	_ =	shalt  }
0x43: {  	_ =	shalt  }
0x44: {  	_ =	shalt  }
0x45: {  	_ =	shalt  }
0x46: {  	_ =	shalt  }
0x47: {  	_ =	shalt  }
0x48: {  	_ =	shalt  }
0x49: {  	_ =	shalt  }
0x4a: {  	_ =	shalt  }
0x4b: {  	_ =	shalt  }
0x4c: {  	_ =	shalt  }
0x4d: {  	_ =	shalt  }
0x4e: {  	_ =	shalt  }
0x4f: {  	_ =	shalt  }
0x50: {  	_ =	shalt  }
0x51: {  	_ =	shalt  }
0x52: {  	_ =	shalt  }
0x53: {  	_ =	shalt  }
0x54: {  	_ =	shalt  }
0x55: {  	_ =	shalt  }
0x56: {  	_ =	shalt  }
0x57: {  	_ =	shalt  }
0x58: {  	_ =	shalt  }
0x59: {  	_ =	shalt  }
0x5a: {  	_ =	shalt  }
0x5b: {  	_ =	shalt  }
0x5c: {  	_ =	shalt  }
0x5d: {  	_ =	shalt  }
0x5e: {  	_ =	shalt  }
0x5f: {  	_ =	shalt  }
0x60: {  	_ =	shalt  }
0x61: {  	_ =	shalt  }
0x62: {  	_ =	shalt  }
0x63: {  	_ =	shalt  }
0x64: {  	_ =	shalt  }
0x65: {  	_ =	shalt  }
0x66: {  	_ =	shalt  }
0x67: {  	_ =	shalt  }
0x68: {  	_ =	shalt  }
0x69: {  	_ =	shalt  }
0x6a: {  	_ =	shalt  }
0x6b: {  	_ =	shalt  }
0x6c: {  	_ =	shalt  }
0x6d: {  	_ =	shalt  }
0x6e: {  	_ =	shalt  }
0x6f: {  	_ =	shalt  }
0x70: {  	_ =	shalt  }
0x71: {  	_ =	shalt  }
0x72: {  	_ =	shalt  }
0x73: {  	_ =	shalt  }
0x74: {  	_ =	shalt  }
0x75: {  	_ =	shalt  }
0x76: {  	_ =	shalt  }
0x77: {  	_ =	shalt  }
0x78: {  	_ =	shalt  }
0x79: {  	_ =	shalt  }
0x7a: {  	_ =	shalt  }
0x7b: {  	_ =	shalt  }
0x7c: {  	_ =	shalt  }
0x7d: {  	_ =	shalt  }
0x7e: {  	_ =	shalt  }
0x7f: {  	_ =	shalt  }
0x80: {  	_ =	shalt  }
0x81: {  	_ =	shalt  }
0x82: {  	_ =	shalt  }
0x83: {  	_ =	shalt  }
0x84: {  	_ =	shalt  }
0x85: {  	_ =	shalt  }
0x86: {  	_ =	shalt  }
0x87: {  	_ =	shalt  }
.Lfunc_end0:
.L_simem_size_0:
called_computation.1_lowered:
.L_overlay_start_0:
0x88: {  	s2 =	sld [smem:$0x3FD9]  }
0x89: {  	s3 =	sld [smem:$0x3FFE];
	_ =	sdelay $0x1  }
0x8a: {  	s1 =	srdreg.scid  }
0x8b: {  	s0 =	sand.u32 $0x1, s1  }
0x8c: {  	s17 =	sshll.u32 s0, $0xA;
	s2 =	sadd.s32 s3, s2  }
0x8d: {  	s2 =	sadd.s32 s2, s17  }
0x8e: {  	[smem:$0x3FC0] =	sst s2  }
0x8f: {  	_ = 	snop  }
0x90: {  	s18 =	sld [smem:$0x3FC9];
	(tm) =	ssettm $0x1  }
0x91: {  	s19 =	sld [smem:$0x3FFB];
	_ =	sdelay $0x3  }
0x92: {  	_ =	strace s19  }
0x93: {  	s2 =	sld [smem:$0x3FFC];
	_ =	sdelay $0x3  }
0x94: {  	_ =	strace s2  }
0x95: {  	s2 =	sld [smem:$0x3FFD];
	_ =	sdelay $0x3  }
0x96: {  	_ =	strace s2  }
0x97: {  	_ =	strace $0x8FFFFFFF  }
0x98: {  	s20 =	sld [smem:$0x3FDB];
	_ =	sdelay $0x1  }
0x99: {  	s4 =	simm.s32 $_scs_section_size  }
0x9a: {  	s5 =	simm.s32 $_size__tile_overlayer_lowered;
	s6 =	simm.s32 $_tile_overlayer_lowered  }
0x9b: {  	s7 =	simm.s32 $0x1BFF;
	s21 =	sshll.u32 s6, $0x1;
	s4 =	sadd.s32 s4, s20  }
0x9c: {  	s22 =	simm.s32 $0x0;
	s5 =	sshll.u32 s5, $0x1;
	s6 =	sadd.s32 s21, s4  }
0x9d: {  	[timem:s22], [sflag:s7] =	dma.local [hbm:s6], s5  }
0x9e: {  	_ =	swait.ge [sflag:s7], s5  }
0x9f: {  	s5 =	ssub.s32 $0x0, s5;
	[sflag:s7] =	ssyncset.done $0x0  }
0xa0: {  	[sflag:s7] =	ssyncadd.s32 s5;
	_ =	sdelay $0x1  }
0xa1: {  	s23 =	simm.s32 $0x1B8B  }
0xa2: {  	_ =	swait.ge [sflag:s23], $0x1  }
0xa3: {  	[sflag:s23] =	ssyncset.done $0x0  }
0xa4: {  	[sflag:s23] =	ssyncadd.s32 $0xFFFFFFFF  }
0xa5: {  	s5 =	sld [smem:$0x0]  }
0xa6: {  	s6 =	sand.u32 $0xFFFFFFFE, s1  }
0xa7: {  	p0 =	sne.s32 s1, s6  }
0xa8: {  	s6 =	sshll.u32 @p0 s6, $0xE  }
0xa9: {  	s6 =	sadd.s32 @p0 $0x11B8D, s6;
	s7 =	sshll.u32 @p0 s5, $0x11  }
0xaa: {  	s6 =	sor.u32 @p0 s7, s6  }
0xab: {  	[sflag:s6] =	ssyncadd.remote.s32 @p0 $0x1;
	_ =	sdelay $0x1  }
0xac: {  	s6 =	simm.s32 @p0 $0x1B8D  }
0xad: {  	_ =	swait.eq @p0 [sflag:s6], $0x1  }
0xae: {  	[sflag:s6] =	ssyncadd.s32 @p0 $0xFFFFFFFF  }
0xaf: {  	s7 =	sshll.u32 @!p0 s1, $0xE  }
0xb0: {  	s7 =	sor.u32 @!p0 $0x4000, s7;
	s6 =	simm.s32 @!p0 $0x1B8D  }
0xb1: {  	s5 =	sshll.u32 @!p0 s5, $0x11;
	s7 =	sadd.s32 @!p0 $0x11B8D, s7;
	_ =	swait.eq @!p0 [sflag:s6], $0x1  }
0xb2: {  	s5 =	sor.u32 @!p0 s5, s7;
	[sflag:s6] =	ssyncadd.s32 @!p0 $0xFFFFFFFF  }
0xb3: {  	s25 =	simm.s32 $0x1B8E;
	s24 =	sld [smem:$0x3FFE];
	[sflag:s5] =	ssyncadd.remote.s32 @!p0 $0x1  }
0xb4: {  	s26 =	simm.s32 $execute0_lowered;
	[smem:$0x3FD2] =	sst s25  }
0xb5: {  	s6 =	sshll.u32 s26, $0x1;
	_ =	strace $0x80000049;
	[dreg:$0x1] =	wrdreg $0xFFFFFFFF  }
0xb6: {  	s28 =	simm.s32 $_size_execute0_lowered;
	s4 =	sadd.s32 s4, s6;
	[dreg:$0x0] =	wrdreg $0x0  }
0xb7: {  	s6 =	sshll.u32 s28, $0x1;
	[dreg:$0x2] =	wrdreg s4  }
0xb8: {  	[dreg:$0x3] =	wrdreg s6  }
0xb9: {  	[dreg:$0x4] =	wrdreg $0xC0  }
0xba: {  	_ =	task [dreg:s22], $0x5FFFF  }
0xbb: {  	[dreg:$0x1] =	wrdreg $0xFFFFFFFF  }
0xbc: {  	[dreg:$0x0] =	wrdreg $0x60  }
0xbd: {  	[dreg:$0x2] =	wrdreg s18  }
0xbe: {  	[dreg:$0x3] =	wrdreg s24  }
0xbf: {  	[dreg:$0x4] =	wrdreg $0xA  }
0xc0: {  	_ =	task.clear_ibuf [dreg:s22], $0x5FFFF;
	_ =	strace $0x90000049  }
0xc1: {  	s29 =	simm.s32 $0xA;
	_ =	strace $0x8000004B  }
0xc2: {  	_ =	swait.ge [sflag:s29], $0x1  }
0xc3: {  	[sflag:s29] =	ssyncadd.s32 $0xFFFFFFFF  }
0xc4: {  	_ =	strace $0x9000004B  }
0xc5: {  	_ =	sfence  }
0xc6: {  	s30 =	sld [smem:$0x0];
	_ =	sdelay $0x2  }
0xc7: {  	s31 =	sshll.u32 s1, $0xD;
	s1 =	sshrl.u32 s1, $0x2  }
0xc8: {  	s4 =	sand.u32 $0x4000, s31;
	s1 =	sadd.s32 s1, s30  }
0xc9: {  	s0 =	sor.u32 s4, s0;
	s1 =	sshll.u32 s1, $0x11  }
0xca: {  	s0 =	sor.u32 s1, s0  }
0xcb: {  	s0 =	sadd.s32 $0x8F2B, s0  }
0xcc: {  	[sflag:s0] =	ssyncadd.remote.s32 $0x1  }
0xcd: {  	_ =	sfence.sel $0xFFFF  }
0xce: {  	[dreg:$0x0] =	wrdreg $0xFFFFFFFF;
	(pc) =	sbr.abs _section_cstart, $3  }
0xcf: {  	[dreg:$0x1] =	wrdreg $0xFFFFFFFF  }
0xd0: {  	_ =	task.clear_ibuf [dreg:s22], $0x2FFFF;
	_ =	strace $0x9FFFFFFF  }
0xd1: {  	(tm) =	ssettm $0x7FFFFFFF  }
tec
execute0_lowered:
.L_overlay_start_1:
0x0: {  	(tag) =	ssettag $0x1  }
0x1: {  	s0 =	rddreg [dreg:$0x0]  }
0x2: {  	s4 =	rddreg [dreg:$0x1];
	s3 =	srdreg.scid;
	s2 =	simm.s32 $0x0  }
0x3: {  	s1 =	stileid.u32;
	s9 =	simm.s32 $0x1;
	s5 =	sand.u32 $0x1, s3  }
0x4: {  	s11 =	simm.s32 $0x0;
	s28 =	sshll.u32 s1, $0xA;
	s6 =	sshll.u32 s5, $0x9  }
0x5: {  	[smem:$0x7FF] =	sst s2;
	s3 =	sadd.s32 $0x16E4800, s4;
	s6 =	sor.u32 s6, s28  }
0x6: {  	_ =	strace $0x8000004A;
	s7 =	sshll.u32 s6, $0x4;
	s6 =	sshrl.u32 s6, $0x3  }
0x7: {  	s5 =	ssub.s32 $0x2, s5;
	s7 =	sadd.s32 s7, s4;
	s0 =	sadd.s32 s0, s6  }
0x8: {  	s29 =	sshrl.u32 s5, $0x1;
	[dreg:$0x3] =	wrdreg s0;
	s30 =	sadd.s32 $0x21200, s7  }
0x9: {  	s8 =	ssub.s32 s5, s29;
	s31 =	sadd.s32 $0x22200, s7;
	[dreg:$0x4] =	wrdreg s30  }
0xa: {  	s7 =	smax.u32 s8, $0x1;
	s8 =	simm.s32 $0x2;
	[dreg:$0x5] =	wrdreg s31  }
.LBB2_1:
0xb: {  	s0 =	rddreg [dreg:$0x3]  }
0xc: {  	[tilespmem:s2], [sflag:$0x2] =	stream.linear.gather [hbm4b:s0+s2], $0x200, $0x38;
	[tilespmem:$0x8200] =	vst v63  }
0xd: {  	_ =	swait.ge [sflag:s8], $0x200  }
0xe: {  	[sflag:s8] =	ssyncset.done $0x0  }
0xf: {  	[sflag:s8] =	ssyncadd.s32 $0xFFFFFE00  }
0x10: {  	v0 =	vld [tilespmem:s2+$0x0];
	_ =	sdelay $0x4  }
0x11: {  	v0 =	vshll.u32 v0, $0x4  }
0x12: {  	(v2sf) =	vpush v0, $0x2  }
0x13: {  	(v2sf) =	vpush v0, $0x0  }
0x14: {  	(v2sf) =	vpush v0, $0x1;
	_ =	sdelay $0x2  }
0x15: {  	(v2sf) =	vpush v0, $0x3;
	_ =	sdelay $0x1  }
0x16: {  	(v2sf) =	vpush v0, $0x4;
	_ =	sdelay $0x1  }
0x17: {  	(v2sf) =	vpush v0, $0x5;
	_ =	sdelay $0x1  }
0x18: {  	p0 =	por $0x1, $0x1;
	s13 =	simm.s32 $0x4000;
	(v2sf) =	vpush v0, $0x6  }
0x19: {  	s15 =	simm.s32 $0x280;
	s16 =	simm.s32 $0x200;
	s10 =	simm.s32 $0x480  }
0x1a: {  	s19 =	simm.s32 $0x300;
	s22 =	simm.s32 $0x380;
	s24 =	simm.s32 $0x400  }
0x1b: {  	s26 =	simm.s32 $0x600;
	p2 =	por $0x1, $0x1;
	s30 =	simm.s32 $0x500  }
0x1c: {  	s1 =	simm.s32 $0x700;
	p0 =	por p0, p0;
	s6 =	spop (v2sf);
	(v2sf) =	vpush v0, $0x7  }
0x1d: {  	s5 =	simm.s32 $0x580;
	p1 =	por p0, p0;
	s12 =	spop (v2sf)  }
0x1e: {  	p0 =	por p2, p2;
	(v2sf) =	vpush v0, $0x8;
	s12 =	sand.u32 $0x1FFFFFF0, s12;
	s14 =	spop (v2sf)  }
0x1f: {  	s0 =	sand.u32 $0x1FFFFFF0, s6;
	(v2sf) =	vpush v0, $0x9;
	s12 =	sadd.s32 s3, s12;
	s17 =	sand.u32 $0x1FFFFFF0, s14  }
0x20: {  	[tilespmem:s16], [sflag:$0x1] =	stream.linear.gather [hbm4b:s12+s2], $0x80, $0x38;
	[tilespmem:$0x8200] =	vst v63  }
0x21: {  	s6 =	simm.s32 $0x680;
	s20 =	spop (v2sf);
	(v2sf) =	vpush v0, $0xA;
	s18 =	sadd.s32 s3, s17  }
0x22: {  	[tilespmem:s15], [sflag:$0x1] =	stream.linear.gather [hbm4b:s18+s2], $0x80, $0x38;
	[tilespmem:$0x8200] =	vst v63  }
0x23: {  	s0 =	sadd.s32 s3, s0;
	s16 =	sand.u32 $0x1FFFFFF0, s20;
	s21 =	spop (v2sf);
	(v2sf) =	vpush v0, $0xB  }
0x24: {  	[tilespmem:s19], [sflag:$0x1] =	stream.linear.gather [hbm4b:s0+s2], $0x80, $0x38;
	[tilespmem:$0x8200] =	vst v63  }
0x25: {  	s23 =	sand.u32 $0x1FFFFFF0, s21;
	s16 =	sadd.s32 s3, s16;
	s25 =	spop (v2sf);
	(v2sf) =	vpush v0, $0xC  }
0x26: {  	[tilespmem:s22], [sflag:$0x1] =	stream.linear.gather [hbm4b:s16+s2], $0x80, $0x38;
	[tilespmem:$0x8200] =	vst v63  }
0x27: {  	s15 =	sadd.s32 s3, s23;
	s28 =	sand.u32 $0x1FFFFFF0, s25;
	s29 =	spop (v2sf);
	(v2sf) =	vpush v0, $0xD  }
0x28: {  	[tilespmem:s24], [sflag:$0x1] =	stream.linear.gather [hbm4b:s15+s2], $0x80, $0x38;
	[tilespmem:$0x8200] =	vst v63  }
0x29: {  	s14 =	simm.s32 $0x980;
	s16 =	sand.u32 $0x1FFFFFF0, s29;
	s15 =	sadd.s32 s3, s28  }
0x2a: {  	[tilespmem:s10], [sflag:$0x1] =	stream.linear.gather [hbm4b:s15+s2], $0x80, $0x38;
	[tilespmem:$0x8200] =	vst v63  }
0x2b: {  	s21 =	simm.s32 $0x780;
	(v2sf) =	vpush v0, $0xE;
	s16 =	sadd.s32 s3, s16;
	s31 =	spop (v2sf)  }
0x2c: {  	[tilespmem:s30], [sflag:$0x1] =	stream.linear.gather [hbm4b:s16+s2], $0x80, $0x38;
	[tilespmem:$0x8200] =	vst v63  }
0x2d: {  	s19 =	simm.s32 $0x800;
	(v2sf) =	vpush v0, $0xF;
	s15 =	sand.u32 $0x1FFFFFF0, s31;
	s4 =	spop (v2sf)  }
0x2e: {  	s16 =	sand.u32 $0x1FFFFFF0, s4;
	s15 =	sadd.s32 s3, s15;
	s10 =	spop (v2sf)  }
0x2f: {  	[tilespmem:s5], [sflag:$0x1] =	stream.linear.gather [hbm4b:s15+s2], $0x80, $0x38;
	[tilespmem:$0x8200] =	vst v63  }
0x30: {  	s16 =	sadd.s32 s3, s16;
	s17 =	sand.u32 $0x1FFFFFF0, s10;
	s18 =	spop (v2sf)  }
0x31: {  	[tilespmem:s26], [sflag:$0x1] =	stream.linear.gather [hbm4b:s16+s2], $0x80, $0x38;
	[tilespmem:$0x8200] =	vst v63  }
0x32: {  	s0 =	sadd.s32 s3, s17;
	s20 =	spop (v2sf);
	s16 =	sand.u32 $0x1FFFFFF0, s18  }
0x33: {  	[tilespmem:s6], [sflag:$0x1] =	stream.linear.gather [hbm4b:s0+s2], $0x80, $0x38;
	[tilespmem:$0x8200] =	vst v63  }
0x34: {  	s15 =	sand.u32 $0x1FFFFFF0, s20;
	s22 =	spop (v2sf);
	s16 =	sadd.s32 s3, s16  }
0x35: {  	[tilespmem:s1], [sflag:$0x1] =	stream.linear.gather [hbm4b:s16+s2], $0x80, $0x38;
	[tilespmem:$0x8200] =	vst v63  }
0x36: {  	s23 =	spop (v2sf);
	s15 =	sadd.s32 s3, s15;
	s16 =	sand.u32 $0x1FFFFFF0, s22  }
0x37: {  	[tilespmem:s21], [sflag:$0x1] =	stream.linear.gather [hbm4b:s15+s2], $0x80, $0x38;
	[tilespmem:$0x8200] =	vst v63  }
0x38: {  	s29 =	simm.s32 $0x900;
	s24 =	sand.u32 $0x1FFFFFF0, s23;
	s16 =	sadd.s32 s3, s16  }
0x39: {  	[tilespmem:s19], [sflag:$0x1] =	stream.linear.gather [hbm4b:s16+s2], $0x80, $0x38;
	[tilespmem:$0x8200] =	vst v63  }
0x3a: {  	s28 =	simm.s32 $0x880;
	s25 =	spop (v2sf);
	s12 =	sadd.s32 s3, s24  }
0x3b: {  	[tilespmem:s28], [sflag:$0x1] =	stream.linear.gather [hbm4b:s12+s2], $0x80, $0x38;
	[tilespmem:$0x8200] =	vst v63  }
0x3c: {  	s18 =	simm.s32 @!p1 $0x1;
	s26 =	sand.u32 $0x1FFFFFF0, s25;
	s30 =	spop (v2sf)  }
0x3d: {  	s0 =	sadd.s32 s3, s26;
	s15 =	simm.s32 $0x10;
	s31 =	sand.u32 $0x1FFFFFF0, s30  }
0x3e: {  	[tilespmem:s29], [sflag:$0x1] =	stream.linear.gather [hbm4b:s0+s2], $0x80, $0x38;
	[tilespmem:$0x8200] =	vst v63  }
0x3f: {  	s16 =	simm.s32 $0x2;
	s12 =	simm.s32 $0x800;
	s0 =	sadd.s32 s3, s31  }
.LBB2_2:
0x40: {  	s29 =	sadd.s32 $0x280, s12  }
0x41: {  	s24 =	sadd.s32 $0x980, s12;
	s17 =	smov.u32 s13;
	s13 =	sadd.s32 $0x2000, s13  }
0x42: {  	[tilespmem:s14], [sflag:$0x1] =	stream.linear.gather [hbm4b:s0+s2], $0x80, $0x38;
	[tilespmem:$0x8200] =	vst v63  }
0x43: {  	s22 =	sadd.s32 $0x480, s12;
	s19 =	sadd.s32 $0x600, s12;
	_ =	swait.ge @!p1 [sflag:s18], $0x800  }
0x44: {  	s26 =	sadd.s32 $0x400, s12;
	s0 =	sadd.s32 $0x200, s12;
	[sflag:s18] =	ssyncset.done @!p1 $0x0  }
0x45: {  	p3 =	slt.u32 s16, $0x2;
	s23 =	sadd.s32 $0x500, s12;
	[sflag:s18] =	ssyncadd.s32 @!p1 $0xFFFFF800  }
0x46: {  	s30 =	sadd.s32 $0x300, s12;
	s20 =	sadd.s32 $0x700, s12;
	p2 =	sne.s32 s13, $0x20000;
	v0 =	vld [tilespmem:s15+$0x0]  }
0x47: {  	s21 =	sadd.s32 $0x680, s12;
	s14 =	smov.u32 s24;
	p1 =	por p0, p0  }
0x48: {  	p0 =	por p3, p3;
	_ =	sdelay $0x1  }
0x49: {  	s31 =	sadd.s32 $0x380, s12  }
0x4a: {  	v0 =	vshll.u32 v0, $0x4  }
0x4b: {  	(v2sf) =	vpush v0, $0x2  }
0x4c: {  	(v2sf) =	vpush v0, $0x0  }
0x4d: {  	(v2sf) =	vpush v0, $0x1  }
0x4e: {  	(v2sf) =	vpush v0, $0x3;
	_ =	sdelay $0x1  }
0x4f: {  	(v2sf) =	vpush v0, $0x4;
	_ =	sdelay $0x1  }
0x50: {  	(v2sf) =	vpush v0, $0x5;
	_ =	sdelay $0x1  }
0x51: {  	(v2sf) =	vpush v0, $0x6;
	_ =	sdelay $0x1  }
0x52: {  	(v2sf) =	vpush v0, $0x7;
	_ =	sdelay $0x1  }
0x53: {  	s24 =	sadd.s32 $0x800, s12;
	(v2sf) =	vpush v0, $0x8  }
0x54: {  	s28 =	sadd.s32 $0x780, s12;
	s15 =	sadd.s32 $0x10, s15  }
0x55: {  	s16 =	sadd.s32 $0x1, s16;
	s18 =	simm.s32 @!p1 $0x1;
	s25 =	spop (v2sf);
	(v2sf) =	vpush v0, $0x9  }
0x56: {  	s1 =	sand.u32 $0x1FFFFFF0, s25;
	s25 =	sadd.s32 $0x900, s12;
	s10 =	spop (v2sf)  }
0x57: {  	s4 =	sadd.s32 $0x580, s12;
	s10 =	sand.u32 $0x1FFFFFF0, s10;
	s5 =	spop (v2sf);
	(v2sf) =	vpush v0, $0xA  }
0x58: {  	s10 =	sadd.s32 s3, s10;
	s5 =	sand.u32 $0x1FFFFFF0, s5;
	s6 =	spop (v2sf)  }
0x59: {  	[tilespmem:s0], [sflag:$0x1] =	stream.linear.gather [hbm4b:s10+s2], $0x80, $0x38;
	(v2sf) =	vpush v0, $0xB;
	[tilespmem:$0x8200] =	vst v63  }
0x5a: {  	s0 =	sadd.s32 s3, s5;
	s5 =	sand.u32 $0x1FFFFFF0, s6;
	s6 =	spop (v2sf)  }
0x5b: {  	[tilespmem:s29], [sflag:$0x1] =	stream.linear.gather [hbm4b:s0+s2], $0x80, $0x38;
	(v2sf) =	vpush v0, $0xC;
	[tilespmem:$0x8200] =	vst v63  }
0x5c: {  	s0 =	sadd.s32 s3, s1;
	s1 =	sand.u32 $0x1FFFFFF0, s6;
	s6 =	spop (v2sf)  }
0x5d: {  	[tilespmem:s30], [sflag:$0x1] =	stream.linear.gather [hbm4b:s0+s2], $0x80, $0x38;
	(v2sf) =	vpush v0, $0xD;
	[tilespmem:$0x8200] =	vst v63  }
0x5e: {  	s0 =	sadd.s32 s3, s5;
	s5 =	sand.u32 $0x1FFFFFF0, s6;
	s6 =	spop (v2sf)  }
0x5f: {  	[tilespmem:s31], [sflag:$0x1] =	stream.linear.gather [hbm4b:s0+s2], $0x80, $0x38;
	(v2sf) =	vpush v0, $0xE;
	[tilespmem:$0x8200] =	vst v63  }
0x60: {  	s0 =	sadd.s32 s3, s1;
	s1 =	sand.u32 $0x1FFFFFF0, s6;
	s6 =	spop (v2sf)  }
0x61: {  	[tilespmem:s26], [sflag:$0x1] =	stream.linear.gather [hbm4b:s0+s2], $0x80, $0x38;
	(v2sf) =	vpush v0, $0xF;
	[tilespmem:$0x8200] =	vst v63  }
0x62: {  	s0 =	sadd.s32 s3, s5;
	s5 =	sand.u32 $0x1FFFFFF0, s6;
	s6 =	spop (v2sf)  }
0x63: {  	[tilespmem:s22], [sflag:$0x1] =	stream.linear.gather [hbm4b:s0+s2], $0x80, $0x38;
	[tilespmem:$0x8200] =	vst v63  }
0x64: {  	s0 =	sadd.s32 s3, s1;
	s1 =	sand.u32 $0x1FFFFFF0, s6;
	s6 =	spop (v2sf)  }
0x65: {  	[tilespmem:s23], [sflag:$0x1] =	stream.linear.gather [hbm4b:s0+s2], $0x80, $0x38;
	[tilespmem:$0x8200] =	vst v63  }
0x66: {  	s0 =	sadd.s32 s3, s5;
	s5 =	sand.u32 $0x1FFFFFF0, s6;
	s6 =	spop (v2sf)  }
0x67: {  	[tilespmem:s4], [sflag:$0x1] =	stream.linear.gather [hbm4b:s0+s2], $0x80, $0x38;
	[tilespmem:$0x8200] =	vst v63  }
0x68: {  	s0 =	sadd.s32 s3, s1;
	s1 =	sand.u32 $0x1FFFFFF0, s6;
	s4 =	spop (v2sf)  }
0x69: {  	[tilespmem:s19], [sflag:$0x1] =	stream.linear.gather [hbm4b:s0+s2], $0x80, $0x38;
	[tilespmem:$0x8200] =	vst v63  }
0x6a: {  	s0 =	sadd.s32 s3, s5;
	s4 =	sand.u32 $0x1FFFFFF0, s4;
	s5 =	spop (v2sf)  }
0x6b: {  	[tilespmem:s21], [sflag:$0x1] =	stream.linear.gather [hbm4b:s0+s2], $0x80, $0x38;
	[tilespmem:$0x8200] =	vst v63  }
0x6c: {  	s0 =	sadd.s32 s3, s1;
	s1 =	sand.u32 $0x1FFFFFF0, s5;
	s5 =	spop (v2sf)  }
0x6d: {  	[tilespmem:s20], [sflag:$0x1] =	stream.linear.gather [hbm4b:s0+s2], $0x80, $0x38;
	[tilespmem:$0x8200] =	vst v63  }
0x6e: {  	s0 =	sadd.s32 s3, s4;
	s4 =	sand.u32 $0x1FFFFFF0, s5;
	s5 =	spop (v2sf)  }
0x6f: {  	[tilespmem:s28], [sflag:$0x1] =	stream.linear.gather [hbm4b:s0+s2], $0x80, $0x38;
	[tilespmem:$0x8200] =	vst v63  }
0x70: {  	s0 =	sadd.s32 s3, s1;
	s1 =	sand.u32 $0x1FFFFFF0, s5;
	s5 =	spop (v2sf)  }
0x71: {  	[tilespmem:s24], [sflag:$0x1] =	stream.linear.gather [hbm4b:s0+s2], $0x80, $0x38;
	[tilespmem:$0x8200] =	vst v63  }
.Ltmp0:
0x72: {  	_ = 	snop;
	(pc) =	sbr.rel @p2 .LBB2_2-.Ltmp0, $4  }
0x73: {  	s4 =	sadd.s32 s3, s4;
	s0 =	sadd.s32 $0x880, s12;
	s5 =	sand.u32 $0x1FFFFFF0, s5  }
0x74: {  	[tilespmem:s0], [sflag:$0x1] =	stream.linear.gather [hbm4b:s4+s2], $0x80, $0x38;
	[tilespmem:$0x8200] =	vst v63  }
0x75: {  	s1 =	sadd.s32 s3, s1;
	s12 =	sshra.s32 s17, $0x2;
	s0 =	sadd.s32 s3, s5  }
0x76: {  	[tilespmem:s25], [sflag:$0x1] =	stream.linear.gather [hbm4b:s1+s2], $0x80, $0x38;
	[tilespmem:$0x8200] =	vst v63  }
0x77: {  	[tilespmem:s14], [sflag:$0x1] =	stream.linear.gather [hbm4b:s0+s2], $0x80, $0x38;
	[tilespmem:$0x8200] =	vst v63  }
0x78: {  	_ =	swait.ge @!p1 [sflag:s18], $0x800  }
0x79: {  	[sflag:s18] =	ssyncset.done @!p1 $0x0  }
0x7a: {  	[sflag:s18] =	ssyncadd.s32 @!p1 $0xFFFFF800  }
0x7b: {  	v0 =	vld [tilespmem:s15+$0x0];
	_ =	sdelay $0x4  }
0x7c: {  	v0 =	vshll.u32 v0, $0x4  }
0x7d: {  	(v2sf) =	vpush v0, $0x2  }
0x7e: {  	(v2sf) =	vpush v0, $0x0  }
0x7f: {  	(v2sf) =	vpush v0, $0x1  }
0x80: {  	(v2sf) =	vpush v0, $0x3;
	_ =	sdelay $0x1  }
0x81: {  	(v2sf) =	vpush v0, $0x4  }
0x82: {  	(v2sf) =	vpush v0, $0x5;
	_ =	sdelay $0x3  }
0x83: {  	(v2sf) =	vpush v0, $0x6;
	_ =	sdelay $0x1  }
0x84: {  	(v2sf) =	vpush v0, $0x7  }
0x85: {  	s5 =	sadd.s32 $0x200, s12;
	s14 =	sadd.s32 $0x280, s12;
	s20 =	sadd.s32 $0x400, s12  }
0x86: {  	s22 =	sadd.s32 $0x480, s12;
	s26 =	sadd.s32 $0x500, s12;
	s29 =	sadd.s32 $0x580, s12  }
0x87: {  	p0 =	por p0, p0;
	s18 =	sadd.s32 $0x380, s12;
	s13 =	spop (v2sf)  }
0x88: {  	s15 =	sadd.s32 $0x300, s12;
	(v2sf) =	vpush v0, $0x8;
	s1 =	spop (v2sf);
	s0 =	sand.u32 $0x1FFFFFF0, s13  }
0x89: {  	s13 =	sadd.s32 $0x700, s12;
	s1 =	sand.u32 $0x1FFFFFF0, s1;
	s4 =	spop (v2sf)  }
0x8a: {  	(v2sf) =	vpush v0, $0x9;
	s1 =	sadd.s32 s3, s1;
	s4 =	sand.u32 $0x1FFFFFF0, s4;
	s16 =	spop (v2sf)  }
0x8b: {  	[tilespmem:s5], [sflag:$0x1] =	stream.linear.gather [hbm4b:s1+s2], $0x80, $0x38;
	[tilespmem:$0x8200] =	vst v63  }
0x8c: {  	s0 =	sadd.s32 s3, s0;
	(v2sf) =	vpush v0, $0xA;
	s4 =	sadd.s32 s3, s4;
	s17 =	spop (v2sf)  }
0x8d: {  	s5 =	sadd.s32 $0x600, s12;
	s19 =	sand.u32 $0x1FFFFFF0, s17;
	s21 =	spop (v2sf)  }
0x8e: {  	(v2sf) =	vpush v0, $0xB;
	[tilespmem:s14], [sflag:$0x1] =	stream.linear.gather [hbm4b:s4+s2], $0x80, $0x38;
	[tilespmem:$0x8200] =	vst v63  }
0x8f: {  	s4 =	sand.u32 $0x1FFFFFF0, s16;
	s1 =	sadd.s32 s3, s19;
	s23 =	sand.u32 $0x1FFFFFF0, s21  }
0x90: {  	(v2sf) =	vpush v0, $0xC;
	[tilespmem:s15], [sflag:$0x1] =	stream.linear.gather [hbm4b:s0+s2], $0x80, $0x38;
	[tilespmem:$0x8200] =	vst v63  }
0x91: {  	s24 =	spop (v2sf);
	s14 =	sadd.s32 $0x680, s12;
	s4 =	sadd.s32 s3, s4  }
0x92: {  	(v2sf) =	vpush v0, $0xD;
	[tilespmem:s18], [sflag:$0x1] =	stream.linear.gather [hbm4b:s4+s2], $0x80, $0x38;
	[tilespmem:$0x8200] =	vst v63  }
0x93: {  	s19 =	sadd.s32 $0x780, s12;
	s21 =	sadd.s32 $0x800, s12;
	s25 =	spop (v2sf)  }
0x94: {  	(v2sf) =	vpush v0, $0xE;
	[tilespmem:s20], [sflag:$0x1] =	stream.linear.gather [hbm4b:s1+s2], $0x80, $0x38;
	[tilespmem:$0x8200] =	vst v63  }
0x95: {  	s28 =	sand.u32 $0x1FFFFFF0, s25;
	s4 =	sand.u32 $0x1FFFFFF0, s24;
	s1 =	sadd.s32 s3, s23  }
0x96: {  	(v2sf) =	vpush v0, $0xF;
	[tilespmem:s22], [sflag:$0x1] =	stream.linear.gather [hbm4b:s1+s2], $0x80, $0x38;
	[tilespmem:$0x8200] =	vst v63  }
0x97: {  	s25 =	sadd.s32 $0x880, s12;
	s4 =	sadd.s32 s3, s4;
	s30 =	spop (v2sf)  }
0x98: {  	[tilespmem:s26], [sflag:$0x1] =	stream.linear.gather [hbm4b:s4+s2], $0x80, $0x38;
	[tilespmem:$0x8200] =	vst v63  }
0x99: {  	s1 =	sadd.s32 s3, s28;
	s6 =	sand.u32 $0x1FFFFFF0, s30;
	s10 =	spop (v2sf)  }
0x9a: {  	[tilespmem:s29], [sflag:$0x1] =	stream.linear.gather [hbm4b:s1+s2], $0x80, $0x38;
	[tilespmem:$0x8200] =	vst v63  }
0x9b: {  	s4 =	sand.u32 $0x1FFFFFF0, s10;
	s15 =	spop (v2sf);
	s1 =	sadd.s32 s3, s6  }
0x9c: {  	[tilespmem:s5], [sflag:$0x1] =	stream.linear.gather [hbm4b:s1+s2], $0x80, $0x38;
	[tilespmem:$0x8200] =	vst v63  }
0x9d: {  	s4 =	sadd.s32 s3, s4;
	s16 =	sand.u32 $0x1FFFFFF0, s15;
	s17 =	spop (v2sf)  }
0x9e: {  	[tilespmem:s14], [sflag:$0x1] =	stream.linear.gather [hbm4b:s4+s2], $0x80, $0x38;
	[tilespmem:$0x8200] =	vst v63  }
0x9f: {  	s18 =	spop (v2sf);
	s0 =	sadd.s32 s3, s16;
	s1 =	sand.u32 $0x1FFFFFF0, s17  }
0xa0: {  	[tilespmem:s13], [sflag:$0x1] =	stream.linear.gather [hbm4b:s0+s2], $0x80, $0x38;
	[tilespmem:$0x8200] =	vst v63  }
0xa1: {  	s20 =	spop (v2sf);
	s22 =	sand.u32 $0x1FFFFFF0, s18;
	s1 =	sadd.s32 s3, s1  }
0xa2: {  	[tilespmem:s19], [sflag:$0x1] =	stream.linear.gather [hbm4b:s1+s2], $0x80, $0x38;
	[tilespmem:$0x8200] =	vst v63  }
0xa3: {  	s23 =	spop (v2sf);
	s5 =	sand.u32 $0x1FFFFFF0, s20;
	s1 =	sadd.s32 s3, s22  }
0xa4: {  	[tilespmem:s21], [sflag:$0x1] =	stream.linear.gather [hbm4b:s1+s2], $0x80, $0x38;
	[tilespmem:$0x8200] =	vst v63  }
0xa5: {  	s4 =	sand.u32 $0x1FFFFFF0, s23;
	s24 =	spop (v2sf);
	s5 =	sadd.s32 s3, s5  }
0xa6: {  	[tilespmem:s25], [sflag:$0x1] =	stream.linear.gather [hbm4b:s5+s2], $0x80, $0x38;
	[tilespmem:$0x8200] =	vst v63  }
0xa7: {  	s26 =	sadd.s32 $0x900, s12;
	s4 =	sadd.s32 s3, s4;
	s0 =	sand.u32 $0x1FFFFFF0, s24  }
0xa8: {  	[tilespmem:s26], [sflag:$0x1] =	stream.linear.gather [hbm4b:s4+s2], $0x80, $0x38;
	[tilespmem:$0x8200] =	vst v63  }
0xa9: {  	s28 =	sadd.s32 $0x980, s12;
	s0 =	sadd.s32 s3, s0;
	s4 =	simm.s32 @!p0 $0x1  }
0xaa: {  	[tilespmem:s28], [sflag:$0x1] =	stream.linear.gather [hbm4b:s0+s2], $0x80, $0x38;
	[tilespmem:$0x8200] =	vst v63  }
0xab: {  	_ =	swait.ge @!p0 [sflag:s4], $0x800  }
0xac: {  	[sflag:s4] =	ssyncset.done @!p0 $0x0  }
0xad: {  	[sflag:s4] =	ssyncadd.s32 @!p0 $0xFFFFF800  }
0xae: {  	_ =	swait.ge [sflag:s9], $0x800  }
0xaf: {  	[sflag:s9] =	ssyncset.done $0x0  }
0xb0: {  	[sflag:s9] =	ssyncadd.s32 $0xFFFFF800  }
0xb1: {  	_ =	swait.ge [sflag:s9], $0x800  }
0xb2: {  	s31 =	simm.s32 $0x200;
	[sflag:s9] =	ssyncset.done $0x0  }
0xb3: {  	s13 =	simm.s32 $0x0;
	s29 =	rddreg [dreg:$0x4];
	[sflag:s9] =	ssyncadd.s32 $0xFFFFF800  }
0xb4: {  	[hbm4b:s29+s13] =	stream.linear.scatter [tilespmem:s31], [sflag:$0x2], $0x8000, $0x38;
	[tilespmem:$0x8200] =	vst v63  }
0xb5: {  	_ =	swait.ge [sflag:s8], $0x8000  }
0xb6: {  	[sflag:s8] =	ssyncset.done $0x0  }
0xb7: {  	s30 =	sand.u32 $0xF0, s13;
	[sflag:s8] =	ssyncadd.s32 $0xFFFF8000  }
0xb8: {  	v0 =	vld [tilespmem:s30+$0x100];
	_ =	sdelay $0x4  }
0xb9: {  	v0 =	vshll.u32 v0, $0x4  }
0xba: {  	(v2sf) =	vpush v0, $0x1  }
0xbb: {  	(v2sf) =	vpush v0, $0x0  }
0xbc: {  	(v2sf) =	vpush v0, $0x3  }
0xbd: {  	s12 =	simm.s32 $0x0;
	(v2sf) =	vpush v0, $0x2  }
0xbe: {  	s15 =	simm.s32 $0x2000;
	s16 =	simm.s32 $0x10;
	s14 =	simm.s32 $0x0;
	(v2sf) =	vpush v0, $0x4  }
.LBB2_4:
0xbf: {  	s1 =	sadd.s32 $0x280, s12  }
0xc0: {  	s19 =	sadd.s32 $0x780, s12;
	s17 =	smov.u32 s15;
	s15 =	sadd.s32 $0x2000, s15  }
0xc1: {  	s23 =	sadd.s32 $0x580, s12;
	s20 =	sadd.s32 $0x800, s12;
	p0 =	sne.s32 s15, $0x20000  }
0xc2: {  	s26 =	sadd.s32 $0x480, s12;
	s22 =	sadd.s32 $0x600, s12;
	s18 =	sadd.s32 $0x880, s12  }
0xc3: {  	s4 =	sadd.s32 $0x200, s12;
	s5 =	sadd.s32 $0x400, s12;
	(v2sf) =	vpush v0, $0x5  }
0xc4: {  	s0 =	sadd.s32 $0x500, s12  }
0xc5: {  	s6 =	sadd.s32 $0x300, s12;
	s21 =	sadd.s32 $0x700, s12;
	(v2sf) =	vpush v0, $0x6  }
0xc6: {  	s24 =	sadd.s32 $0x680, s12  }
0xc7: {  	(v2sf) =	vpush v0, $0x7;
	_ =	sdelay $0x1  }
0xc8: {  	s10 =	sadd.s32 $0x380, s12;
	s25 =	spop (v2sf);
	(v2sf) =	vpush v0, $0x8  }
0xc9: {  	s13 =	sadd.s32 $0x1, s13;
	s28 =	spop (v2sf)  }
0xca: {  	s25 =	sand.u32 $0x1FFFFFF0, s25;
	s28 =	sand.u32 $0x1FFFFFF0, s28;
	s29 =	spop (v2sf);
	(v2sf) =	vpush v0, $0x9  }
0xcb: {  	s25 =	sadd.s32 s3, s25;
	s28 =	sadd.s32 s3, s28;
	s30 =	spop (v2sf)  }
0xcc: {  	[tilespmem:s4], [sflag:$0x1] =	stream.linear.gather [hbm4b:s28+s2], $0x80, $0x38;
	(v2sf) =	vpush v0, $0xA;
	[tilespmem:$0x8200] =	vst v63  }
0xcd: {  	s4 =	sand.u32 $0x1FFFFFF0, s30;
	s28 =	sand.u32 $0x1FFFFFF0, s29;
	s29 =	spop (v2sf)  }
0xce: {  	[tilespmem:s1], [sflag:$0x1] =	stream.linear.gather [hbm4b:s25+s2], $0x80, $0x38;
	(v2sf) =	vpush v0, $0xB;
	[tilespmem:$0x8200] =	vst v63  }
0xcf: {  	s1 =	sadd.s32 s3, s4;
	s4 =	sadd.s32 s3, s28;
	s28 =	sand.u32 $0x1FFFFFF0, s29  }
0xd0: {  	[tilespmem:s6], [sflag:$0x1] =	stream.linear.gather [hbm4b:s1+s2], $0x80, $0x38;
	(v2sf) =	vpush v0, $0xC;
	[tilespmem:$0x8200] =	vst v63  }
0xd1: {  	p1 =	slt.u32 s14, $0x2;
	s25 =	sadd.s32 $0x980, s12;
	s1 =	spop (v2sf)  }
0xd2: {  	[tilespmem:s10], [sflag:$0x1] =	stream.linear.gather [hbm4b:s4+s2], $0x80, $0x38;
	(v2sf) =	vpush v0, $0xD;
	[tilespmem:$0x8200] =	vst v63  }
0xd3: {  	s4 =	sadd.s32 s3, s28;
	s1 =	sand.u32 $0x1FFFFFF0, s1;
	s6 =	spop (v2sf)  }
0xd4: {  	[tilespmem:s5], [sflag:$0x1] =	stream.linear.gather [hbm4b:s4+s2], $0x80, $0x38;
	(v2sf) =	vpush v0, $0xE;
	[tilespmem:$0x8200] =	vst v63  }
0xd5: {  	s1 =	sadd.s32 s3, s1;
	s4 =	sand.u32 $0x1FFFFFF0, s6;
	s5 =	spop (v2sf)  }
0xd6: {  	[tilespmem:s26], [sflag:$0x1] =	stream.linear.gather [hbm4b:s1+s2], $0x80, $0x38;
	(v2sf) =	vpush v0, $0xF;
	[tilespmem:$0x8200] =	vst v63  }
0xd7: {  	s1 =	sadd.s32 s3, s4;
	s4 =	sand.u32 $0x1FFFFFF0, s5;
	s5 =	spop (v2sf)  }
0xd8: {  	[tilespmem:s0], [sflag:$0x1] =	stream.linear.gather [hbm4b:s1+s2], $0x80, $0x38;
	[tilespmem:$0x8200] =	vst v63  }
0xd9: {  	s0 =	sadd.s32 s3, s4;
	s1 =	sand.u32 $0x1FFFFFF0, s5;
	s4 =	spop (v2sf)  }
0xda: {  	[tilespmem:s23], [sflag:$0x1] =	stream.linear.gather [hbm4b:s0+s2], $0x80, $0x38;
	[tilespmem:$0x8200] =	vst v63  }
0xdb: {  	s0 =	sadd.s32 s3, s1;
	s1 =	sand.u32 $0x1FFFFFF0, s4;
	s4 =	spop (v2sf)  }
0xdc: {  	[tilespmem:s22], [sflag:$0x1] =	stream.linear.gather [hbm4b:s0+s2], $0x80, $0x38;
	[tilespmem:$0x8200] =	vst v63  }
0xdd: {  	s0 =	sadd.s32 s3, s1;
	s1 =	sand.u32 $0x1FFFFFF0, s4;
	s4 =	spop (v2sf)  }
0xde: {  	[tilespmem:s24], [sflag:$0x1] =	stream.linear.gather [hbm4b:s0+s2], $0x80, $0x38;
	[tilespmem:$0x8200] =	vst v63  }
0xdf: {  	s0 =	sadd.s32 s3, s1;
	s1 =	sand.u32 $0x1FFFFFF0, s4;
	s4 =	spop (v2sf)  }
0xe0: {  	[tilespmem:s21], [sflag:$0x1] =	stream.linear.gather [hbm4b:s0+s2], $0x80, $0x38;
	[tilespmem:$0x8200] =	vst v63  }
0xe1: {  	s0 =	sadd.s32 s3, s1;
	s1 =	sand.u32 $0x1FFFFFF0, s4;
	s4 =	spop (v2sf)  }
0xe2: {  	[tilespmem:s19], [sflag:$0x1] =	stream.linear.gather [hbm4b:s0+s2], $0x80, $0x38;
	[tilespmem:$0x8200] =	vst v63  }
0xe3: {  	s0 =	sadd.s32 s3, s1;
	s1 =	sand.u32 $0x1FFFFFF0, s4;
	s4 =	spop (v2sf)  }
0xe4: {  	[tilespmem:s20], [sflag:$0x1] =	stream.linear.gather [hbm4b:s0+s2], $0x80, $0x38;
	[tilespmem:$0x8200] =	vst v63  }
0xe5: {  	s0 =	sadd.s32 s3, s1;
	s1 =	sand.u32 $0x1FFFFFF0, s4;
	s4 =	spop (v2sf)  }
0xe6: {  	[tilespmem:s18], [sflag:$0x1] =	stream.linear.gather [hbm4b:s0+s2], $0x80, $0x38;
	[tilespmem:$0x8200] =	vst v63  }
0xe7: {  	s1 =	sadd.s32 s3, s1;
	s0 =	sadd.s32 $0x900, s12;
	s4 =	sand.u32 $0x1FFFFFF0, s4  }
0xe8: {  	[tilespmem:s0], [sflag:$0x1] =	stream.linear.gather [hbm4b:s1+s2], $0x80, $0x38;
	[tilespmem:$0x8200] =	vst v63  }
0xe9: {  	s0 =	sand.u32 $0xF0, s16;
	s1 =	sadd.s32 s3, s4;
	s4 =	simm.s32 @!p1 $0x1  }
0xea: {  	[tilespmem:s25], [sflag:$0x1] =	stream.linear.gather [hbm4b:s1+s2], $0x80, $0x38;
	[tilespmem:$0x8200] =	vst v63  }
0xeb: {  	s14 =	smov.u32 s13;
	_ =	swait.ge @!p1 [sflag:s4], $0x800  }
0xec: {  	[sflag:s4] =	ssyncset.done @!p1 $0x0  }
0xed: {  	[sflag:s4] =	ssyncadd.s32 @!p1 $0xFFFFF800  }
0xee: {  	v0 =	vld [tilespmem:s0+$0x100];
	_ =	sdelay $0x4  }
0xef: {  	v0 =	vshll.u32 v0, $0x4  }
0xf0: {  	(v2sf) =	vpush v0, $0x1  }
.Ltmp1:
0xf1: {  	(v2sf) =	vpush v0, $0x0;
	(pc) =	sbr.rel @p0 .LBB2_4-.Ltmp1, $3  }
0xf2: {  	(v2sf) =	vpush v0, $0x3  }
0xf3: {  	(v2sf) =	vpush v0, $0x2;
	_ =	sdelay $0x1  }
0xf4: {  	s12 =	sshra.s32 s17, $0x2;
	s16 =	sadd.s32 $0x10, s16;
	(v2sf) =	vpush v0, $0x4  }
0xf5: {  	_ =	sdelay $0x8  }
0xf6: {  	s0 =	spop (v2sf)  }
0xf7: {  	s1 =	spop (v2sf);
	(v2sf) =	vpush v0, $0x5;
	_ =	sdelay $0x1  }
0xf8: {  	s21 =	spop (v2sf);
	(v2sf) =	vpush v0, $0x6;
	_ =	sdelay $0x1  }
0xf9: {  	s22 =	spop (v2sf);
	(v2sf) =	vpush v0, $0x7  }
0xfa: {  	s1 =	sand.u32 $0x1FFFFFF0, s1  }
0xfb: {  	s4 =	sadd.s32 $0x200, s12;
	s0 =	sand.u32 $0x1FFFFFF0, s0;
	s1 =	sadd.s32 s3, s1  }
0xfc: {  	[tilespmem:s4], [sflag:$0x1] =	stream.linear.gather [hbm4b:s1+s2], $0x80, $0x38;
	[tilespmem:$0x8200] =	vst v63  }
0xfd: {  	s20 =	sadd.s32 $0x280, s12;
	s0 =	sadd.s32 s3, s0;
	s26 =	spop (v2sf)  }
0xfe: {  	(v2sf) =	vpush v0, $0x8;
	[tilespmem:s20], [sflag:$0x1] =	stream.linear.gather [hbm4b:s0+s2], $0x80, $0x38;
	[tilespmem:$0x8200] =	vst v63  }
0xff: {  	s0 =	sand.u32 $0x1FFFFFF0, s22  }
0x100: {  	s23 =	sadd.s32 $0x300, s12;
	s24 =	sand.u32 $0x1FFFFFF0, s21;
	s0 =	sadd.s32 s3, s0  }
0x101: {  	[tilespmem:s23], [sflag:$0x1] =	stream.linear.gather [hbm4b:s0+s2], $0x80, $0x38;
	[tilespmem:$0x8200] =	vst v63  }
0x102: {  	s25 =	sadd.s32 $0x380, s12;
	s0 =	sadd.s32 s3, s24  }
0x103: {  	[tilespmem:s25], [sflag:$0x1] =	stream.linear.gather [hbm4b:s0+s2], $0x80, $0x38;
	[tilespmem:$0x8200] =	vst v63  }
0x104: {  	s29 =	spop (v2sf);
	(v2sf) =	vpush v0, $0x9  }
0x105: {  	s0 =	sand.u32 $0x1FFFFFF0, s26  }
0x106: {  	s28 =	sadd.s32 $0x400, s12;
	s0 =	sadd.s32 s3, s0;
	s1 =	spop (v2sf);
	(v2sf) =	vpush v0, $0xA  }
0x107: {  	[tilespmem:s28], [sflag:$0x1] =	stream.linear.gather [hbm4b:s0+s2], $0x80, $0x38;
	[tilespmem:$0x8200] =	vst v63  }
0x108: {  	s5 =	spop (v2sf);
	(v2sf) =	vpush v0, $0xB  }
0x109: {  	s0 =	sand.u32 $0x1FFFFFF0, s29  }
0x10a: {  	s30 =	sadd.s32 $0x480, s12;
	s0 =	sadd.s32 s3, s0  }
0x10b: {  	[tilespmem:s30], [sflag:$0x1] =	stream.linear.gather [hbm4b:s0+s2], $0x80, $0x38;
	[tilespmem:$0x8200] =	vst v63  }
0x10c: {  	s0 =	sand.u32 $0x1FFFFFF0, s1  }
0x10d: {  	s4 =	sadd.s32 $0x500, s12;
	s0 =	sadd.s32 s3, s0;
	s10 =	spop (v2sf)  }
0x10e: {  	(v2sf) =	vpush v0, $0xC;
	[tilespmem:s4], [sflag:$0x1] =	stream.linear.gather [hbm4b:s0+s2], $0x80, $0x38;
	[tilespmem:$0x8200] =	vst v63  }
0x10f: {  	s0 =	sand.u32 $0x1FFFFFF0, s5  }
0x110: {  	s6 =	sadd.s32 $0x580, s12;
	s0 =	sadd.s32 s3, s0  }
0x111: {  	[tilespmem:s6], [sflag:$0x1] =	stream.linear.gather [hbm4b:s0+s2], $0x80, $0x38;
	[tilespmem:$0x8200] =	vst v63  }
0x112: {  	s0 =	sand.u32 $0x1FFFFFF0, s10  }
0x113: {  	s13 =	sadd.s32 $0x600, s12;
	s0 =	sadd.s32 s3, s0;
	s15 =	spop (v2sf);
	(v2sf) =	vpush v0, $0xD  }
0x114: {  	[tilespmem:s13], [sflag:$0x1] =	stream.linear.gather [hbm4b:s0+s2], $0x80, $0x38;
	[tilespmem:$0x8200] =	vst v63  }
0x115: {  	s17 =	spop (v2sf);
	(v2sf) =	vpush v0, $0xE  }
0x116: {  	s0 =	sand.u32 $0x1FFFFFF0, s15  }
0x117: {  	s16 =	sadd.s32 $0x680, s12;
	s0 =	sadd.s32 s3, s0;
	s19 =	spop (v2sf)  }
0x118: {  	(v2sf) =	vpush v0, $0xF;
	[tilespmem:s16], [sflag:$0x1] =	stream.linear.gather [hbm4b:s0+s2], $0x80, $0x38;
	[tilespmem:$0x8200] =	vst v63  }
0x119: {  	s0 =	sand.u32 $0x1FFFFFF0, s17  }
0x11a: {  	s18 =	sadd.s32 $0x700, s12;
	s0 =	sadd.s32 s3, s0  }
0x11b: {  	[tilespmem:s18], [sflag:$0x1] =	stream.linear.gather [hbm4b:s0+s2], $0x80, $0x38;
	[tilespmem:$0x8200] =	vst v63  }
0x11c: {  	s0 =	sand.u32 $0x1FFFFFF0, s19  }
0x11d: {  	s20 =	sadd.s32 $0x780, s12;
	s21 =	spop (v2sf);
	s0 =	sadd.s32 s3, s0  }
0x11e: {  	[tilespmem:s20], [sflag:$0x1] =	stream.linear.gather [hbm4b:s0+s2], $0x80, $0x38;
	[tilespmem:$0x8200] =	vst v63  }
0x11f: {  	s0 =	sand.u32 $0x1FFFFFF0, s21  }
0x120: {  	s22 =	sadd.s32 $0x800, s12;
	s0 =	sadd.s32 s3, s0  }
0x121: {  	[tilespmem:s22], [sflag:$0x1] =	stream.linear.gather [hbm4b:s0+s2], $0x80, $0x38;
	[tilespmem:$0x8200] =	vst v63  }
0x122: {  	s23 =	spop (v2sf)  }
0x123: {  	s0 =	sand.u32 $0x1FFFFFF0, s23  }
0x124: {  	s24 =	sadd.s32 $0x880, s12;
	s25 =	spop (v2sf);
	s0 =	sadd.s32 s3, s0  }
0x125: {  	[tilespmem:s24], [sflag:$0x1] =	stream.linear.gather [hbm4b:s0+s2], $0x80, $0x38;
	[tilespmem:$0x8200] =	vst v63  }
0x126: {  	s0 =	sand.u32 $0x1FFFFFF0, s25  }
0x127: {  	s26 =	sadd.s32 $0x900, s12;
	s28 =	spop (v2sf);
	s0 =	sadd.s32 s3, s0  }
0x128: {  	[tilespmem:s26], [sflag:$0x1] =	stream.linear.gather [hbm4b:s0+s2], $0x80, $0x38;
	[tilespmem:$0x8200] =	vst v63  }
0x129: {  	s0 =	sand.u32 $0x1FFFFFF0, s28  }
0x12a: {  	p0 =	slt.u32 s14, $0x2;
	s29 =	sadd.s32 $0x980, s12;
	s0 =	sadd.s32 s3, s0  }
0x12b: {  	[tilespmem:s29], [sflag:$0x1] =	stream.linear.gather [hbm4b:s0+s2], $0x80, $0x38;
	[tilespmem:$0x8200] =	vst v63  }
0x12c: {  	s0 =	simm.s32 @!p0 $0x1  }
0x12d: {  	_ =	swait.ge @!p0 [sflag:s0], $0x800  }
0x12e: {  	[sflag:s0] =	ssyncset.done @!p0 $0x0  }
0x12f: {  	[sflag:s0] =	ssyncadd.s32 @!p0 $0xFFFFF800  }
0x130: {  	_ =	swait.ge [sflag:s9], $0x800  }
0x131: {  	[sflag:s9] =	ssyncset.done $0x0  }
0x132: {  	[sflag:s9] =	ssyncadd.s32 $0xFFFFF800  }
0x133: {  	s11 =	sadd.s32 $0x1, s11;
	_ =	swait.ge [sflag:s9], $0x800  }
0x134: {  	p0 =	sne.s32 s11, s7;
	[sflag:s9] =	ssyncset.done $0x0  }
.Ltmp2:
0x135: {  	s30 =	rddreg [dreg:$0x5];
	[sflag:s9] =	ssyncadd.s32 $0xFFFFF800;
	(pc) =	sbr.rel @p0 .LBB2_1-.Ltmp2, $4  }
0x136: {  	[hbm4b:s30+s2] =	stream.linear.scatter [tilespmem:s31], [sflag:$0x2], $0x8000, $0x38;
	[tilespmem:$0x8200] =	vst v63  }
0x137: {  	_ =	swait.ge [sflag:s8], $0x8000  }
0x138: {  	[sflag:s8] =	ssyncset.done $0x0  }
0x139: {  	[sflag:s8] =	ssyncadd.s32 $0xFFFF8000  }
0x13a: {  	_ =	sfence.sel $0x180000  }
0x13b: {  	[bflag:$0x0] =	sbarrier.arrive $0xFFFF  }
0x13c: {  	_ =	strace $0x9000004A  }
0x13d: {  	s0 =	stileid.u32;
	[bflag:$0x2] =	sbarrier.arrive $0xFFFF  }
0x13e: {  	p0 =	sne.s32 s0, $0x0;
	s0 =	rddreg [dreg:$0x2]  }
0x13f: {  	s0 =	sadd.s32 @!p0 $0x100000, s0  }
0x140: {  	[sflag:s0] =	ssyncadd.tile.s32 @!p0 $0x1;
	_ =	shalt  }
.Lfunc_end2:
_tile_overlayer_lowered:
.L_overlay_start_2:
0x141: {  	(tag) =	ssettag $0x2  }
0x142: {  	s0 =	rddreg [dreg:$0x0];
	s2 =	stileid.u32  }
0x143: {  	s1 =	rddreg [dreg:$0x1];
	p0 =	sne.s32 s2, $0x0  }
0x144: {  	s3 =	rddreg [dreg:$0x2];
	[bflag:$0x3] =	sbarrier.arrive $0xFFFF;
	s2 =	simm.s32 @!p0 $0x1C02  }
0x145: {  	[timem:s3], [sflag:s2] =	dma.local @!p0 [hbm:s0], s1  }
0x146: {  	s0 =	simm.s32 @!p0 $0x2  }
0x147: {  	_ =	swait.ge @!p0 [sflag:s0], s1  }
0x148: {  	s1 =	ssub.s32 @!p0 $0x0, s1;
	[sflag:s0] =	ssyncset.done @!p0 $0x0  }
0x149: {  	[sflag:s0] =	ssyncadd.s32 @!p0 s1  }
0x14a: {  	[bflag:$0x3] =	sbarrier.arrive $0xFFFF  }
0x14b: {  	_ =	shalt  }

</sc_bundles>
